<compile_context>
chip_gen: v7x
topology: tpu7x:2x2x1
jax: 0.10.2.dev20260603
libtpu: 0.0.44.dev20260713+nightly
codegen_flags: <defaults>
</compile_context>

<pallas_src>
import functools

import jax
import jax.numpy as jnp
from jax import lax
from jax.experimental import pallas as pl
from jax.experimental.pallas import tpu as pltpu
from jax.experimental.pallas import tpu_sc as plsc

_CH = 2000
_RING = 5


def _phase(pos_hbm, idx_hbm, out_hbm, spm, table_v, ibufs, isems,
           obufs, osems, psema, psemb, base, half_off, num_pins, ncyc):
    half = num_pins // 2

    for t in range(_RING):
        pltpu.async_copy(
            idx_hbm.at[pl.ds(base + t * _CH, _CH)], ibufs[t], isems[t])

    pull_a = pltpu.async_copy(spm, table_v.at[pl.ds(0, half)], psema)
    pull_b = pltpu.async_copy(
        pos_hbm.at[pl.ds(half_off + half, half)],
        table_v.at[pl.ds(half, half)], psemb)
    pull_a.wait()
    pull_b.wait()

    @pl.loop(0, ncyc)
    def _(j):
        jbase = base + j * (_RING * _CH)
        for t in range(_RING):
            off = jbase + t * _CH
            pltpu.make_async_copy(
                idx_hbm.at[pl.ds(off, _CH)], ibufs[t], isems[t]).wait()

            @pl.when(j > 0)
            def _():
                pltpu.make_async_copy(
                    obufs[t], out_hbm.at[pl.ds(off, _CH)], osems[t]).wait()

            idx_v, out_v = ibufs[t], obufs[t]

            @plsc.parallel_loop(0, _CH // 16, 1, unroll=25)
            def _(i):
                idx = idx_v[pl.ds(i * 16, 16)]
                out_v[pl.ds(i * 16, 16)] = plsc.load_gather(table_v, [idx])

            pltpu.async_copy(out_v, out_hbm.at[pl.ds(off, _CH)], osems[t])

            @pl.when(j + 1 < ncyc)
            def _():
                pltpu.async_copy(
                    idx_hbm.at[pl.ds(off + _RING * _CH, _CH)],
                    ibufs[t], isems[t])

    for t in range(_RING):
        pltpu.make_async_copy(
            obufs[t], out_hbm.at[pl.ds(0, _CH)], osems[t]).wait()


def _gather_body(pos_hbm, px_hbm, py_hbm, outx_hbm, outy_hbm,
                 table_v, spm,
                 i0, i1, i2, i3, i4, o0, o1, o2, o3, o4,
                 tsem, pa, pb, is0, is1, is2, is3, is4,
                 os0, os1, os2, os3, os4,
                 *, num_pins, per_tile):
    c = lax.axis_index("c")
    s = lax.axis_index("s")
    base = s * per_tile
    ncyc = per_tile // (_RING * _CH)
    ibufs = [i0, i1, i2, i3, i4]
    isems = [is0, is1, is2, is3, is4]
    obufs = [o0, o1, o2, o3, o4]
    osems = [os0, os1, os2, os3, os4]
    half = num_pins // 2

    @pl.when(c == 0)
    def _():
        st = pltpu.make_async_copy(pos_hbm.at[pl.ds(0, half)], spm, tsem)

        @pl.when(s == 0)
        def _():
            st.start()
            st.wait()

        plsc.subcore_barrier()
        _phase(pos_hbm, px_hbm, outx_hbm, spm, table_v, ibufs, isems,
               obufs, osems, pa, pb, base, 0, num_pins, ncyc)

    @pl.when(c == 1)
    def _():
        st = pltpu.make_async_copy(
            pos_hbm.at[pl.ds(num_pins, half)], spm, tsem)

        @pl.when(s == 0)
        def _():
            st.start()
            st.wait()

        plsc.subcore_barrier()
        _phase(pos_hbm, py_hbm, outy_hbm, spm, table_v, ibufs, isems,
               obufs, osems, pa, pb, base, num_pins, num_pins, ncyc)


def kernel(pos, pin_relate_x, pin_relate_y, num_vertices):
    num_pins = pos.shape[0] // 2
    nv = pin_relate_x.shape[0]
    per_tile = nv // 16
    mesh = plsc.VectorSubcoreMesh(core_axis_name="c", subcore_axis_name="s")
    f = pl.kernel(
        functools.partial(_gather_body, num_pins=num_pins, per_tile=per_tile),
        out_type=(jax.ShapeDtypeStruct((nv,), jnp.float32),
                  jax.ShapeDtypeStruct((nv,), jnp.float32)),
        mesh=mesh,
        scratch_types=(
            [pltpu.VMEM((num_pins,), jnp.float32),
             pltpu.VMEM_SHARED((num_pins // 2,), jnp.float32)]
            + [pltpu.VMEM((_CH,), jnp.int32) for _ in range(_RING)]
            + [pltpu.VMEM((_CH,), jnp.float32) for _ in range(_RING)]
            + [pltpu.SemaphoreType.DMA for _ in range(3 + 2 * _RING)]
        ),
        compiler_params=pltpu.CompilerParams(
            needs_layout_passes=False, use_tc_tiling_on_sc=False),
    )
    return f(pos, pin_relate_x, pin_relate_y)

# --- scband reference (transcript-rebuilt; emitter-appended) ---
"""Pipeline reference for scband-steiner-topo-25048249270842 (READ-ONLY COPY).

The authoritative reference and input builder live on the scoring server;
editing this copy changes nothing except your own understanding.
"""

import jax, jax.numpy as jnp
import numpy as np

NUM_PINS = 100000
NUM_VERTICES = 1600000


def setup_inputs(seed: int = 0) -> dict:
    key = jax.random.key(seed)
    k1, k2, k3 = jax.random.split(key, 3)
    pos = jax.random.normal(k1, (2 * NUM_PINS,), dtype=jnp.float32)
    pin_relate_x = jax.random.randint(k2, (NUM_VERTICES,), 0, NUM_PINS, dtype=jnp.int32)
    pin_relate_y = jax.random.randint(k3, (NUM_VERTICES,), 0, NUM_PINS, dtype=jnp.int32)
    return {
        "pos": pos,
        "pin_relate_x": pin_relate_x,
        "pin_relate_y": pin_relate_y,
        "num_vertices": NUM_VERTICES,
    }


def reference(pos, pin_relate_x, pin_relate_y, num_vertices):
    # steiner_topo_cpp.forward: update each Steiner vertex coordinate from the
    # position of the pin it is topologically related to.
    # pos layout (DREAMPlace convention): [x_0..x_{P-1}, y_0..y_{P-1}].
    num_pins = pos.shape[0] // 2
    updated_newx = jnp.take(pos, pin_relate_x)
    updated_newy = jnp.take(pos, pin_relate_y + num_pins)
    return (updated_newx, updated_newy)

if __name__ == "__main__":
    import jax
    _d = setup_inputs()
    print(jax.jit(kernel)(*tuple(_d.values())))

</pallas_src>

<mosaic_0001>
#map = affine_map<(d0, d1) -> (0)>
module attributes {stable_mosaic.version = 14 : i64} {
  func.func @_gather_body(%arg0: i32, %arg1: i32, %arg2: memref<200000xf32, #tpu.memory_space<hbm>>, %arg3: memref<1600000xi32, #tpu.memory_space<hbm>>, %arg4: memref<1600000xi32, #tpu.memory_space<hbm>>, %arg5: memref<1600000xf32, #tpu.memory_space<hbm>>, %arg6: memref<1600000xf32, #tpu.memory_space<hbm>>, %arg7: memref<100000xf32, #tpu.memory_space<vmem>>, %arg8: memref<50000xf32, #tpu.memory_space<vmem_shared>>, %arg9: memref<2000xi32, #tpu.memory_space<vmem>>, %arg10: memref<2000xi32, #tpu.memory_space<vmem>>, %arg11: memref<2000xi32, #tpu.memory_space<vmem>>, %arg12: memref<2000xi32, #tpu.memory_space<vmem>>, %arg13: memref<2000xi32, #tpu.memory_space<vmem>>, %arg14: memref<2000xf32, #tpu.memory_space<vmem>>, %arg15: memref<2000xf32, #tpu.memory_space<vmem>>, %arg16: memref<2000xf32, #tpu.memory_space<vmem>>, %arg17: memref<2000xf32, #tpu.memory_space<vmem>>, %arg18: memref<2000xf32, #tpu.memory_space<vmem>>, %arg19: memref<!tpu.dma_semaphore, #tpu.memory_space<semaphore_mem>>, %arg20: memref<!tpu.dma_semaphore, #tpu.memory_space<semaphore_mem>>, %arg21: memref<!tpu.dma_semaphore, #tpu.memory_space<semaphore_mem>>, %arg22: memref<!tpu.dma_semaphore, #tpu.memory_space<semaphore_mem>>, %arg23: memref<!tpu.dma_semaphore, #tpu.memory_space<semaphore_mem>>, %arg24: memref<!tpu.dma_semaphore, #tpu.memory_space<semaphore_mem>>, %arg25: memref<!tpu.dma_semaphore, #tpu.memory_space<semaphore_mem>>, %arg26: memref<!tpu.dma_semaphore, #tpu.memory_space<semaphore_mem>>, %arg27: memref<!tpu.dma_semaphore, #tpu.memory_space<semaphore_mem>>, %arg28: memref<!tpu.dma_semaphore, #tpu.memory_space<semaphore_mem>>, %arg29: memref<!tpu.dma_semaphore, #tpu.memory_space<semaphore_mem>>, %arg30: memref<!tpu.dma_semaphore, #tpu.memory_space<semaphore_mem>>, %arg31: memref<!tpu.dma_semaphore, #tpu.memory_space<semaphore_mem>>) attributes {dimension_semantics = [#tpu.dimension_semantics<core_parallel>, #tpu.dimension_semantics<subcore_parallel>], iteration_bounds = array<i64: 2, 16>, scalar_prefetch = 0 : i64, scratch_operands = 25 : i64, tpu.core_type = #tpu.core_type<sc_vector_subcore>, window_params = [{transform_indices = #map}, {transform_indices = #map}, {transform_indices = #map}, {transform_indices = #map}, {transform_indices = #map}]} {
    %mul3A = arith.constant 100000 : i32
    %mul3A_0 = arith.muli %arg1, %mul3A : i32
    %eq3A = arith.constant 0 : i32
    %eq3A_1 = arith.cmpi eq, %arg0, %eq3A : i32
    %convert_element_type3A = arith.extui %eq3A_1 : i1 to i32
    %cond3A = arith.constant 0 : i32
    %cond3A_2 = arith.cmpi ne, %convert_element_type3A, %cond3A : i32
    scf.if %cond3A_2 {
      %eq3A_8 = arith.constant 0 : i32
      %eq3A_9 = arith.cmpi eq, %arg1, %eq3A_8 : i32
      %convert_element_type3A_10 = arith.extui %eq3A_9 : i1 to i32
      %cond3A_11 = arith.constant 0 : i32
      %cond3A_12 = arith.cmpi ne, %convert_element_type3A_10, %cond3A_11 : i32
      scf.if %cond3A_12 {
        %dma_start3A_78 = arith.constant 0 : i32
        %dma_start3A_79 = tpu.memref_slice %arg2[%dma_start3A_78] : memref<200000xf32, #tpu.memory_space<hbm>> -> memref<50000xf32, #tpu.memory_space<hbm>>
        tpu.enqueue_dma source(%dma_start3A_79 : memref<50000xf32, #tpu.memory_space<hbm>>) target(%arg8 : memref<50000xf32, #tpu.memory_space<vmem_shared>>) target_semaphore(%arg19 : memref<!tpu.dma_semaphore, #tpu.memory_space<semaphore_mem>>)
        %dma_wait3A_80 = arith.constant 0 : i32
        %dma_wait3A_81 = tpu.memref_slice %arg2[%dma_wait3A_80] : memref<200000xf32, #tpu.memory_space<hbm>> -> memref<50000xf32, #tpu.memory_space<hbm>>
        tpu.wait_dma2 semaphore(%arg19 : memref<!tpu.dma_semaphore, #tpu.memory_space<semaphore_mem>>) src(%dma_wait3A_81 : memref<50000xf32, #tpu.memory_space<hbm>>) dst(%arg8 : memref<50000xf32, #tpu.memory_space<vmem_shared>>)
      } else {
      }
      %barrier3A = arith.constant 0 : index
      tpu.barrier barrier_id(%barrier3A)
      %add3A = arith.constant 0 : i32
      %add3A_13 = arith.addi %mul3A_0, %add3A : i32
      %dma_start3A = tpu.memref_slice %arg3[%add3A_13] : memref<1600000xi32, #tpu.memory_space<hbm>> -> memref<2000xi32, #tpu.memory_space<hbm>>
      %dma_start3A_14 = tpu.memref_slice %arg3[%add3A_13] : memref<1600000xi32, #tpu.memory_space<hbm>> -> memref<2000xi32, #tpu.memory_space<hbm>>
      tpu.enqueue_dma source(%dma_start3A_14 : memref<2000xi32, #tpu.memory_space<hbm>>) target(%arg9 : memref<2000xi32, #tpu.memory_space<vmem>>) target_semaphore(%arg22 : memref<!tpu.dma_semaphore, #tpu.memory_space<semaphore_mem>>)
      %add3A_15 = arith.constant 2000 : i32
      %add3A_16 = arith.addi %mul3A_0, %add3A_15 : i32
      %dma_start3A_17 = tpu.memref_slice %arg3[%add3A_16] : memref<1600000xi32, #tpu.memory_space<hbm>> -> memref<2000xi32, #tpu.memory_space<hbm>>
      %dma_start3A_18 = tpu.memref_slice %arg3[%add3A_16] : memref<1600000xi32, #tpu.memory_space<hbm>> -> memref<2000xi32, #tpu.memory_space<hbm>>
      tpu.enqueue_dma source(%dma_start3A_18 : memref<2000xi32, #tpu.memory_space<hbm>>) target(%arg10 : memref<2000xi32, #tpu.memory_space<vmem>>) target_semaphore(%arg23 : memref<!tpu.dma_semaphore, #tpu.memory_space<semaphore_mem>>)
      %add3A_19 = arith.constant 4000 : i32
      %add3A_20 = arith.addi %mul3A_0, %add3A_19 : i32
      %dma_start3A_21 = tpu.memref_slice %arg3[%add3A_20] : memref<1600000xi32, #tpu.memory_space<hbm>> -> memref<2000xi32, #tpu.memory_space<hbm>>
      %dma_start3A_22 = tpu.memref_slice %arg3[%add3A_20] : memref<1600000xi32, #tpu.memory_space<hbm>> -> memref<2000xi32, #tpu.memory_space<hbm>>
      tpu.enqueue_dma source(%dma_start3A_22 : memref<2000xi32, #tpu.memory_space<hbm>>) target(%arg11 : memref<2000xi32, #tpu.memory_space<vmem>>) target_semaphore(%arg24 : memref<!tpu.dma_semaphore, #tpu.memory_space<semaphore_mem>>)
      %add3A_23 = arith.constant 6000 : i32
      %add3A_24 = arith.addi %mul3A_0, %add3A_23 : i32
      %dma_start3A_25 = tpu.memref_slice %arg3[%add3A_24] : memref<1600000xi32, #tpu.memory_space<hbm>> -> memref<2000xi32, #tpu.memory_space<hbm>>
      %dma_start3A_26 = tpu.memref_slice %arg3[%add3A_24] : memref<1600000xi32, #tpu.memory_space<hbm>> -> memref<2000xi32, #tpu.memory_space<hbm>>
      tpu.enqueue_dma source(%dma_start3A_26 : memref<2000xi32, #tpu.memory_space<hbm>>) target(%arg12 : memref<2000xi32, #tpu.memory_space<vmem>>) target_semaphore(%arg25 : memref<!tpu.dma_semaphore, #tpu.memory_space<semaphore_mem>>)
      %add3A_27 = arith.constant 8000 : i32
      %add3A_28 = arith.addi %mul3A_0, %add3A_27 : i32
      %dma_start3A_29 = tpu.memref_slice %arg3[%add3A_28] : memref<1600000xi32, #tpu.memory_space<hbm>> -> memref<2000xi32, #tpu.memory_space<hbm>>
      %dma_start3A_30 = tpu.memref_slice %arg3[%add3A_28] : memref<1600000xi32, #tpu.memory_space<hbm>> -> memref<2000xi32, #tpu.memory_space<hbm>>
      tpu.enqueue_dma source(%dma_start3A_30 : memref<2000xi32, #tpu.memory_space<hbm>>) target(%arg13 : memref<2000xi32, #tpu.memory_space<vmem>>) target_semaphore(%arg26 : memref<!tpu.dma_semaphore, #tpu.memory_space<semaphore_mem>>)
      %dma_start3A_31 = arith.constant 0 : i32
      %dma_start3A_32 = tpu.memref_slice %arg7[%dma_start3A_31] : memref<100000xf32, #tpu.memory_space<vmem>> -> memref<50000xf32, #tpu.memory_space<vmem>>
      %dma_start3A_33 = arith.constant 0 : i32
      %dma_start3A_34 = tpu.memref_slice %arg7[%dma_start3A_33] : memref<100000xf32, #tpu.memory_space<vmem>> -> memref<50000xf32, #tpu.memory_space<vmem>>
      tpu.enqueue_dma source(%arg8 : memref<50000xf32, #tpu.memory_space<vmem_shared>>) target(%dma_start3A_34 : memref<50000xf32, #tpu.memory_space<vmem>>) target_semaphore(%arg20 : memref<!tpu.dma_semaphore, #tpu.memory_space<semaphore_mem>>)
      %dma_start3A_35 = arith.constant 50000 : i32
      %dma_start3A_36 = tpu.memref_slice %arg7[%dma_start3A_35] : memref<100000xf32, #tpu.memory_space<vmem>> -> memref<50000xf32, #tpu.memory_space<vmem>>
      %dma_start3A_37 = arith.constant 50000 : i32
      %dma_start3A_38 = tpu.memref_slice %arg2[%dma_start3A_37] : memref<200000xf32, #tpu.memory_space<hbm>> -> memref<50000xf32, #tpu.memory_space<hbm>>
      %dma_start3A_39 = arith.constant 50000 : i32
      %dma_start3A_40 = tpu.memref_slice %arg7[%dma_start3A_39] : memref<100000xf32, #tpu.memory_space<vmem>> -> memref<50000xf32, #tpu.memory_space<vmem>>
      %dma_start3A_41 = arith.constant 50000 : i32
      %dma_start3A_42 = tpu.memref_slice %arg2[%dma_start3A_41] : memref<200000xf32, #tpu.memory_space<hbm>> -> memref<50000xf32, #tpu.memory_space<hbm>>
      tpu.enqueue_dma source(%dma_start3A_42 : memref<50000xf32, #tpu.memory_space<hbm>>) target(%dma_start3A_40 : memref<50000xf32, #tpu.memory_space<vmem>>) target_semaphore(%arg21 : memref<!tpu.dma_semaphore, #tpu.memory_space<semaphore_mem>>)
      %dma_wait3A = arith.constant 0 : i32
      %dma_wait3A_43 = tpu.memref_slice %arg7[%dma_wait3A] : memref<100000xf32, #tpu.memory_space<vmem>> -> memref<50000xf32, #tpu.memory_space<vmem>>
      %dma_wait3A_44 = arith.constant 0 : i32
      %dma_wait3A_45 = tpu.memref_slice %arg7[%dma_wait3A_44] : memref<100000xf32, #tpu.memory_space<vmem>> -> memref<50000xf32, #tpu.memory_space<vmem>>
      tpu.wait_dma2 semaphore(%arg20 : memref<!tpu.dma_semaphore, #tpu.memory_space<semaphore_mem>>) src(%arg8 : memref<50000xf32, #tpu.memory_space<vmem_shared>>) dst(%dma_wait3A_45 : memref<50000xf32, #tpu.memory_space<vmem>>)
      %dma_wait3A_46 = arith.constant 50000 : i32
      %dma_wait3A_47 = tpu.memref_slice %arg7[%dma_wait3A_46] : memref<100000xf32, #tpu.memory_space<vmem>> -> memref<50000xf32, #tpu.memory_space<vmem>>
      %dma_wait3A_48 = arith.constant 50000 : i32
      %dma_wait3A_49 = tpu.memref_slice %arg2[%dma_wait3A_48] : memref<200000xf32, #tpu.memory_space<hbm>> -> memref<50000xf32, #tpu.memory_space<hbm>>
      %dma_wait3A_50 = arith.constant 50000 : i32
      %dma_wait3A_51 = tpu.memref_slice %arg7[%dma_wait3A_50] : memref<100000xf32, #tpu.memory_space<vmem>> -> memref<50000xf32, #tpu.memory_space<vmem>>
      %dma_wait3A_52 = arith.constant 50000 : i32
      %dma_wait3A_53 = tpu.memref_slice %arg2[%dma_wait3A_52] : memref<200000xf32, #tpu.memory_space<hbm>> -> memref<50000xf32, #tpu.memory_space<hbm>>
      tpu.wait_dma2 semaphore(%arg21 : memref<!tpu.dma_semaphore, #tpu.memory_space<semaphore_mem>>) src(%dma_wait3A_53 : memref<50000xf32, #tpu.memory_space<hbm>>) dst(%dma_wait3A_51 : memref<50000xf32, #tpu.memory_space<vmem>>)
      %scan3A = arith.constant 0 : i32
      %scan3A_54 = arith.constant 10 : i32
      %scan3A_55 = arith.addi %scan3A, %scan3A_54 : i32
      %scan3A_56 = arith.constant 1 : i32
      scf.for %scan3A_78 = %scan3A to %scan3A_55 step %scan3A_56  : i32 {
        %mul3A_79 = arith.constant 1 : i32
        %mul3A_80 = arith.muli %scan3A_78, %mul3A_79 : i32
        %add3A_81 = arith.constant 0 : i32
        %add3A_82 = arith.addi %add3A_81, %mul3A_80 : i32
        %mul3A_83 = arith.constant 10000 : i32
        %mul3A_84 = arith.muli %add3A_82, %mul3A_83 : i32
        %add3A_85 = arith.addi %mul3A_0, %mul3A_84 : i32
        %add3A_86 = arith.constant 0 : i32
        %add3A_87 = arith.addi %add3A_85, %add3A_86 : i32
        %dma_wait3A_88 = tpu.memref_slice %arg3[%add3A_87] : memref<1600000xi32, #tpu.memory_space<hbm>> -> memref<2000xi32, #tpu.memory_space<hbm>>
        %dma_wait3A_89 = tpu.memref_slice %arg3[%add3A_87] : memref<1600000xi32, #tpu.memory_space<hbm>> -> memref<2000xi32, #tpu.memory_space<hbm>>
        tpu.wait_dma2 semaphore(%arg22 : memref<!tpu.dma_semaphore, #tpu.memory_space<semaphore_mem>>) src(%dma_wait3A_89 : memref<2000xi32, #tpu.memory_space<hbm>>) dst(%arg9 : memref<2000xi32, #tpu.memory_space<vmem>>)
        %gt3A = arith.constant 0 : i32
        %gt3A_90 = arith.cmpi sgt, %add3A_82, %gt3A : i32
        %convert_element_type3A_91 = arith.extui %gt3A_90 : i1 to i32
        %cond3A_92 = arith.constant 0 : i32
        %cond3A_93 = arith.cmpi ne, %convert_element_type3A_91, %cond3A_92 : i32
        scf.if %cond3A_93 {
          %dma_wait3A_188 = tpu.memref_slice %arg5[%add3A_87] : memref<1600000xf32, #tpu.memory_space<hbm>> -> memref<2000xf32, #tpu.memory_space<hbm>>
          %dma_wait3A_189 = tpu.memref_slice %arg5[%add3A_87] : memref<1600000xf32, #tpu.memory_space<hbm>> -> memref<2000xf32, #tpu.memory_space<hbm>>
          tpu.wait_dma2 semaphore(%arg27 : memref<!tpu.dma_semaphore, #tpu.memory_space<semaphore_mem>>) src(%arg14 : memref<2000xf32, #tpu.memory_space<vmem>>) dst(%dma_wait3A_189 : memref<2000xf32, #tpu.memory_space<hbm>>)
        } else {
        }
        %parallel_loop3A = arith.constant 0 : i32
        %parallel_loop3A_94 = arith.constant 125 : i32
        %parallel_loop3A_95 = arith.constant 1 : i32
        scf.for %parallel_loop3A_188 = %parallel_loop3A to %parallel_loop3A_94 step %parallel_loop3A_95  : i32 {
          %parallel_loop3A_189 = arith.constant 16 : i32
          %parallel_loop3A_190 = arith.muli %parallel_loop3A_188, %parallel_loop3A_189 : i32
          %parallel_loop3A_191 = arith.index_cast %parallel_loop3A_190 : i32 to index
          %parallel_loop3A_192 = tpu.vector_load %arg9[%parallel_loop3A_191] {strides = array<i32>} : memref<2000xi32, #tpu.memory_space<vmem>>, vector<16xi32>,
          %parallel_loop3A_193 = tpu.vector_load_idx %arg7[%parallel_loop3A_192] : memref<100000xf32, #tpu.memory_space<vmem>>[vector<16xi32>], vector<16xf32>,
          %parallel_loop3A_194 = arith.constant 16 : i32
          %parallel_loop3A_195 = arith.muli %parallel_loop3A_188, %parallel_loop3A_194 : i32
          %parallel_loop3A_196 = arith.index_cast %parallel_loop3A_195 : i32 to index
          %parallel_loop3A_197 = tpu.vector_load %arg14[%parallel_loop3A_196] {strides = array<i32>} : memref<2000xf32, #tpu.memory_space<vmem>>, vector<16xf32>,
          tpu.vector_store %arg14[%parallel_loop3A_196], %parallel_loop3A_193 {strides = array<i32>} : memref<2000xf32, #tpu.memory_space<vmem>>, vector<16xf32>,
        } {sc.loop_unroll_factor = 25 : i64, sc.parallel_access}
        %dma_start3A_96 = tpu.memref_slice %arg5[%add3A_87] : memref<1600000xf32, #tpu.memory_space<hbm>> -> memref<2000xf32, #tpu.memory_space<hbm>>
        %dma_start3A_97 = tpu.memref_slice %arg5[%add3A_87] : memref<1600000xf32, #tpu.memory_space<hbm>> -> memref<2000xf32, #tpu.memory_space<hbm>>
        tpu.enqueue_dma source(%arg14 : memref<2000xf32, #tpu.memory_space<vmem>>) target(%dma_start3A_97 : memref<2000xf32, #tpu.memory_space<hbm>>) target_semaphore(%arg27 : memref<!tpu.dma_semaphore, #tpu.memory_space<semaphore_mem>>)
        %add3A_98 = arith.constant 1 : i32
        %add3A_99 = arith.addi %add3A_82, %add3A_98 : i32
        %lt3A = arith.constant 10 : i32
        %lt3A_100 = arith.cmpi slt, %add3A_99, %lt3A : i32
        %convert_element_type3A_101 = arith.extui %lt3A_100 : i1 to i32
        %cond3A_102 = arith.constant 0 : i32
        %cond3A_103 = arith.cmpi ne, %convert_element_type3A_101, %cond3A_102 : i32
        scf.if %cond3A_103 {
          %add3A_188 = arith.constant 10000 : i32
          %add3A_189 = arith.addi %add3A_87, %add3A_188 : i32
          %dma_start3A_190 = tpu.memref_slice %arg3[%add3A_189] : memref<1600000xi32, #tpu.memory_space<hbm>> -> memref<2000xi32, #tpu.memory_space<hbm>>
          %dma_start3A_191 = tpu.memref_slice %arg3[%add3A_189] : memref<1600000xi32, #tpu.memory_space<hbm>> -> memref<2000xi32, #tpu.memory_space<hbm>>
          tpu.enqueue_dma source(%dma_start3A_191 : memref<2000xi32, #tpu.memory_space<hbm>>) target(%arg9 : memref<2000xi32, #tpu.memory_space<vmem>>) target_semaphore(%arg22 : memref<!tpu.dma_semaphore, #tpu.memory_space<semaphore_mem>>)
        } else {
        }
        %add3A_104 = arith.constant 2000 : i32
        %add3A_105 = arith.addi %add3A_85, %add3A_104 : i32
        %dma_wait3A_106 = tpu.memref_slice %arg3[%add3A_105] : memref<1600000xi32, #tpu.memory_space<hbm>> -> memref<2000xi32, #tpu.memory_space<hbm>>
        %dma_wait3A_107 = tpu.memref_slice %arg3[%add3A_105] : memref<1600000xi32, #tpu.memory_space<hbm>> -> memref<2000xi32, #tpu.memory_space<hbm>>
        tpu.wait_dma2 semaphore(%arg23 : memref<!tpu.dma_semaphore, #tpu.memory_space<semaphore_mem>>) src(%dma_wait3A_107 : memref<2000xi32, #tpu.memory_space<hbm>>) dst(%arg10 : memref<2000xi32, #tpu.memory_space<vmem>>)
        %gt3A_108 = arith.constant 0 : i32
        %gt3A_109 = arith.cmpi sgt, %add3A_82, %gt3A_108 : i32
        %convert_element_type3A_110 = arith.extui %gt3A_109 : i1 to i32
        %cond3A_111 = arith.constant 0 : i32
        %cond3A_112 = arith.cmpi ne, %convert_element_type3A_110, %cond3A_111 : i32
        scf.if %cond3A_112 {
          %dma_wait3A_188 = tpu.memref_slice %arg5[%add3A_105] : memref<1600000xf32, #tpu.memory_space<hbm>> -> memref<2000xf32, #tpu.memory_space<hbm>>
          %dma_wait3A_189 = tpu.memref_slice %arg5[%add3A_105] : memref<1600000xf32, #tpu.memory_space<hbm>> -> memref<2000xf32, #tpu.memory_space<hbm>>
          tpu.wait_dma2 semaphore(%arg28 : memref<!tpu.dma_semaphore, #tpu.memory_space<semaphore_mem>>) src(%arg15 : memref<2000xf32, #tpu.memory_space<vmem>>) dst(%dma_wait3A_189 : memref<2000xf32, #tpu.memory_space<hbm>>)
        } else {
        }
        %parallel_loop3A_113 = arith.constant 0 : i32
        %parallel_loop3A_114 = arith.constant 125 : i32
        %parallel_loop3A_115 = arith.constant 1 : i32
        scf.for %parallel_loop3A_188 = %parallel_loop3A_113 to %parallel_loop3A_114 step %parallel_loop3A_115  : i32 {
          %parallel_loop3A_189 = arith.constant 16 : i32
          %parallel_loop3A_190 = arith.muli %parallel_loop3A_188, %parallel_loop3A_189 : i32
          %parallel_loop3A_191 = arith.index_cast %parallel_loop3A_190 : i32 to index
          %parallel_loop3A_192 = tpu.vector_load %arg10[%parallel_loop3A_191] {strides = array<i32>} : memref<2000xi32, #tpu.memory_space<vmem>>, vector<16xi32>,
          %parallel_loop3A_193 = tpu.vector_load_idx %arg7[%parallel_loop3A_192] : memref<100000xf32, #tpu.memory_space<vmem>>[vector<16xi32>], vector<16xf32>,
          %parallel_loop3A_194 = arith.constant 16 : i32
          %parallel_loop3A_195 = arith.muli %parallel_loop3A_188, %parallel_loop3A_194 : i32
          %parallel_loop3A_196 = arith.index_cast %parallel_loop3A_195 : i32 to index
          %parallel_loop3A_197 = tpu.vector_load %arg15[%parallel_loop3A_196] {strides = array<i32>} : memref<2000xf32, #tpu.memory_space<vmem>>, vector<16xf32>,
          tpu.vector_store %arg15[%parallel_loop3A_196], %parallel_loop3A_193 {strides = array<i32>} : memref<2000xf32, #tpu.memory_space<vmem>>, vector<16xf32>,
        } {sc.loop_unroll_factor = 25 : i64, sc.parallel_access}
        %dma_start3A_116 = tpu.memref_slice %arg5[%add3A_105] : memref<1600000xf32, #tpu.memory_space<hbm>> -> memref<2000xf32, #tpu.memory_space<hbm>>
        %dma_start3A_117 = tpu.memref_slice %arg5[%add3A_105] : memref<1600000xf32, #tpu.memory_space<hbm>> -> memref<2000xf32, #tpu.memory_space<hbm>>
        tpu.enqueue_dma source(%arg15 : memref<2000xf32, #tpu.memory_space<vmem>>) target(%dma_start3A_117 : memref<2000xf32, #tpu.memory_space<hbm>>) target_semaphore(%arg28 : memref<!tpu.dma_semaphore, #tpu.memory_space<semaphore_mem>>)
        %add3A_118 = arith.constant 1 : i32
        %add3A_119 = arith.addi %add3A_82, %add3A_118 : i32
        %lt3A_120 = arith.constant 10 : i32
        %lt3A_121 = arith.cmpi slt, %add3A_119, %lt3A_120 : i32
        %convert_element_type3A_122 = arith.extui %lt3A_121 : i1 to i32
        %cond3A_123 = arith.constant 0 : i32
        %cond3A_124 = arith.cmpi ne, %convert_element_type3A_122, %cond3A_123 : i32
        scf.if %cond3A_124 {
          %add3A_188 = arith.constant 10000 : i32
          %add3A_189 = arith.addi %add3A_105, %add3A_188 : i32
          %dma_start3A_190 = tpu.memref_slice %arg3[%add3A_189] : memref<1600000xi32, #tpu.memory_space<hbm>> -> memref<2000xi32, #tpu.memory_space<hbm>>
          %dma_start3A_191 = tpu.memref_slice %arg3[%add3A_189] : memref<1600000xi32, #tpu.memory_space<hbm>> -> memref<2000xi32, #tpu.memory_space<hbm>>
          tpu.enqueue_dma source(%dma_start3A_191 : memref<2000xi32, #tpu.memory_space<hbm>>) target(%arg10 : memref<2000xi32, #tpu.memory_space<vmem>>) target_semaphore(%arg23 : memref<!tpu.dma_semaphore, #tpu.memory_space<semaphore_mem>>)
        } else {
        }
        %add3A_125 = arith.constant 4000 : i32
        %add3A_126 = arith.addi %add3A_85, %add3A_125 : i32
        %dma_wait3A_127 = tpu.memref_slice %arg3[%add3A_126] : memref<1600000xi32, #tpu.memory_space<hbm>> -> memref<2000xi32, #tpu.memory_space<hbm>>
        %dma_wait3A_128 = tpu.memref_slice %arg3[%add3A_126] : memref<1600000xi32, #tpu.memory_space<hbm>> -> memref<2000xi32, #tpu.memory_space<hbm>>
        tpu.wait_dma2 semaphore(%arg24 : memref<!tpu.dma_semaphore, #tpu.memory_space<semaphore_mem>>) src(%dma_wait3A_128 : memref<2000xi32, #tpu.memory_space<hbm>>) dst(%arg11 : memref<2000xi32, #tpu.memory_space<vmem>>)
        %gt3A_129 = arith.constant 0 : i32
        %gt3A_130 = arith.cmpi sgt, %add3A_82, %gt3A_129 : i32
        %convert_element_type3A_131 = arith.extui %gt3A_130 : i1 to i32
        %cond3A_132 = arith.constant 0 : i32
        %cond3A_133 = arith.cmpi ne, %convert_element_type3A_131, %cond3A_132 : i32
        scf.if %cond3A_133 {
          %dma_wait3A_188 = tpu.memref_slice %arg5[%add3A_126] : memref<1600000xf32, #tpu.memory_space<hbm>> -> memref<2000xf32, #tpu.memory_space<hbm>>
          %dma_wait3A_189 = tpu.memref_slice %arg5[%add3A_126] : memref<1600000xf32, #tpu.memory_space<hbm>> -> memref<2000xf32, #tpu.memory_space<hbm>>
          tpu.wait_dma2 semaphore(%arg29 : memref<!tpu.dma_semaphore, #tpu.memory_space<semaphore_mem>>) src(%arg16 : memref<2000xf32, #tpu.memory_space<vmem>>) dst(%dma_wait3A_189 : memref<2000xf32, #tpu.memory_space<hbm>>)
        } else {
        }
        %parallel_loop3A_134 = arith.constant 0 : i32
        %parallel_loop3A_135 = arith.constant 125 : i32
        %parallel_loop3A_136 = arith.constant 1 : i32
        scf.for %parallel_loop3A_188 = %parallel_loop3A_134 to %parallel_loop3A_135 step %parallel_loop3A_136  : i32 {
          %parallel_loop3A_189 = arith.constant 16 : i32
          %parallel_loop3A_190 = arith.muli %parallel_loop3A_188, %parallel_loop3A_189 : i32
          %parallel_loop3A_191 = arith.index_cast %parallel_loop3A_190 : i32 to index
          %parallel_loop3A_192 = tpu.vector_load %arg11[%parallel_loop3A_191] {strides = array<i32>} : memref<2000xi32, #tpu.memory_space<vmem>>, vector<16xi32>,
          %parallel_loop3A_193 = tpu.vector_load_idx %arg7[%parallel_loop3A_192] : memref<100000xf32, #tpu.memory_space<vmem>>[vector<16xi32>], vector<16xf32>,
          %parallel_loop3A_194 = arith.constant 16 : i32
          %parallel_loop3A_195 = arith.muli %parallel_loop3A_188, %parallel_loop3A_194 : i32
          %parallel_loop3A_196 = arith.index_cast %parallel_loop3A_195 : i32 to index
          %parallel_loop3A_197 = tpu.vector_load %arg16[%parallel_loop3A_196] {strides = array<i32>} : memref<2000xf32, #tpu.memory_space<vmem>>, vector<16xf32>,
          tpu.vector_store %arg16[%parallel_loop3A_196], %parallel_loop3A_193 {strides = array<i32>} : memref<2000xf32, #tpu.memory_space<vmem>>, vector<16xf32>,
        } {sc.loop_unroll_factor = 25 : i64, sc.parallel_access}
        %dma_start3A_137 = tpu.memref_slice %arg5[%add3A_126] : memref<1600000xf32, #tpu.memory_space<hbm>> -> memref<2000xf32, #tpu.memory_space<hbm>>
        %dma_start3A_138 = tpu.memref_slice %arg5[%add3A_126] : memref<1600000xf32, #tpu.memory_space<hbm>> -> memref<2000xf32, #tpu.memory_space<hbm>>
        tpu.enqueue_dma source(%arg16 : memref<2000xf32, #tpu.memory_space<vmem>>) target(%dma_start3A_138 : memref<2000xf32, #tpu.memory_space<hbm>>) target_semaphore(%arg29 : memref<!tpu.dma_semaphore, #tpu.memory_space<semaphore_mem>>)
        %add3A_139 = arith.constant 1 : i32
        %add3A_140 = arith.addi %add3A_82, %add3A_139 : i32
        %lt3A_141 = arith.constant 10 : i32
        %lt3A_142 = arith.cmpi slt, %add3A_140, %lt3A_141 : i32
        %convert_element_type3A_143 = arith.extui %lt3A_142 : i1 to i32
        %cond3A_144 = arith.constant 0 : i32
        %cond3A_145 = arith.cmpi ne, %convert_element_type3A_143, %cond3A_144 : i32
        scf.if %cond3A_145 {
          %add3A_188 = arith.constant 10000 : i32
          %add3A_189 = arith.addi %add3A_126, %add3A_188 : i32
          %dma_start3A_190 = tpu.memref_slice %arg3[%add3A_189] : memref<1600000xi32, #tpu.memory_space<hbm>> -> memref<2000xi32, #tpu.memory_space<hbm>>
          %dma_start3A_191 = tpu.memref_slice %arg3[%add3A_189] : memref<1600000xi32, #tpu.memory_space<hbm>> -> memref<2000xi32, #tpu.memory_space<hbm>>
          tpu.enqueue_dma source(%dma_start3A_191 : memref<2000xi32, #tpu.memory_space<hbm>>) target(%arg11 : memref<2000xi32, #tpu.memory_space<vmem>>) target_semaphore(%arg24 : memref<!tpu.dma_semaphore, #tpu.memory_space<semaphore_mem>>)
        } else {
        }
        %add3A_146 = arith.constant 6000 : i32
        %add3A_147 = arith.addi %add3A_85, %add3A_146 : i32
        %dma_wait3A_148 = tpu.memref_slice %arg3[%add3A_147] : memref<1600000xi32, #tpu.memory_space<hbm>> -> memref<2000xi32, #tpu.memory_space<hbm>>
        %dma_wait3A_149 = tpu.memref_slice %arg3[%add3A_147] : memref<1600000xi32, #tpu.memory_space<hbm>> -> memref<2000xi32, #tpu.memory_space<hbm>>
        tpu.wait_dma2 semaphore(%arg25 : memref<!tpu.dma_semaphore, #tpu.memory_space<semaphore_mem>>) src(%dma_wait3A_149 : memref<2000xi32, #tpu.memory_space<hbm>>) dst(%arg12 : memref<2000xi32, #tpu.memory_space<vmem>>)
        %gt3A_150 = arith.constant 0 : i32
        %gt3A_151 = arith.cmpi sgt, %add3A_82, %gt3A_150 : i32
        %convert_element_type3A_152 = arith.extui %gt3A_151 : i1 to i32
        %cond3A_153 = arith.constant 0 : i32
        %cond3A_154 = arith.cmpi ne, %convert_element_type3A_152, %cond3A_153 : i32
        scf.if %cond3A_154 {
          %dma_wait3A_188 = tpu.memref_slice %arg5[%add3A_147] : memref<1600000xf32, #tpu.memory_space<hbm>> -> memref<2000xf32, #tpu.memory_space<hbm>>
          %dma_wait3A_189 = tpu.memref_slice %arg5[%add3A_147] : memref<1600000xf32, #tpu.memory_space<hbm>> -> memref<2000xf32, #tpu.memory_space<hbm>>
          tpu.wait_dma2 semaphore(%arg30 : memref<!tpu.dma_semaphore, #tpu.memory_space<semaphore_mem>>) src(%arg17 : memref<2000xf32, #tpu.memory_space<vmem>>) dst(%dma_wait3A_189 : memref<2000xf32, #tpu.memory_space<hbm>>)
        } else {
        }
        %parallel_loop3A_155 = arith.constant 0 : i32
        %parallel_loop3A_156 = arith.constant 125 : i32
        %parallel_loop3A_157 = arith.constant 1 : i32
        scf.for %parallel_loop3A_188 = %parallel_loop3A_155 to %parallel_loop3A_156 step %parallel_loop3A_157  : i32 {
          %parallel_loop3A_189 = arith.constant 16 : i32
          %parallel_loop3A_190 = arith.muli %parallel_loop3A_188, %parallel_loop3A_189 : i32
          %parallel_loop3A_191 = arith.index_cast %parallel_loop3A_190 : i32 to index
          %parallel_loop3A_192 = tpu.vector_load %arg12[%parallel_loop3A_191] {strides = array<i32>} : memref<2000xi32, #tpu.memory_space<vmem>>, vector<16xi32>,
          %parallel_loop3A_193 = tpu.vector_load_idx %arg7[%parallel_loop3A_192] : memref<100000xf32, #tpu.memory_space<vmem>>[vector<16xi32>], vector<16xf32>,
          %parallel_loop3A_194 = arith.constant 16 : i32
          %parallel_loop3A_195 = arith.muli %parallel_loop3A_188, %parallel_loop3A_194 : i32
          %parallel_loop3A_196 = arith.index_cast %parallel_loop3A_195 : i32 to index
          %parallel_loop3A_197 = tpu.vector_load %arg17[%parallel_loop3A_196] {strides = array<i32>} : memref<2000xf32, #tpu.memory_space<vmem>>, vector<16xf32>,
          tpu.vector_store %arg17[%parallel_loop3A_196], %parallel_loop3A_193 {strides = array<i32>} : memref<2000xf32, #tpu.memory_space<vmem>>, vector<16xf32>,
        } {sc.loop_unroll_factor = 25 : i64, sc.parallel_access}
        %dma_start3A_158 = tpu.memref_slice %arg5[%add3A_147] : memref<1600000xf32, #tpu.memory_space<hbm>> -> memref<2000xf32, #tpu.memory_space<hbm>>
        %dma_start3A_159 = tpu.memref_slice %arg5[%add3A_147] : memref<1600000xf32, #tpu.memory_space<hbm>> -> memref<2000xf32, #tpu.memory_space<hbm>>
        tpu.enqueue_dma source(%arg17 : memref<2000xf32, #tpu.memory_space<vmem>>) target(%dma_start3A_159 : memref<2000xf32, #tpu.memory_space<hbm>>) target_semaphore(%arg30 : memref<!tpu.dma_semaphore, #tpu.memory_space<semaphore_mem>>)
        %add3A_160 = arith.constant 1 : i32
        %add3A_161 = arith.addi %add3A_82, %add3A_160 : i32
        %lt3A_162 = arith.constant 10 : i32
        %lt3A_163 = arith.cmpi slt, %add3A_161, %lt3A_162 : i32
        %convert_element_type3A_164 = arith.extui %lt3A_163 : i1 to i32
        %cond3A_165 = arith.constant 0 : i32
        %cond3A_166 = arith.cmpi ne, %convert_element_type3A_164, %cond3A_165 : i32
        scf.if %cond3A_166 {
          %add3A_188 = arith.constant 10000 : i32
          %add3A_189 = arith.addi %add3A_147, %add3A_188 : i32
          %dma_start3A_190 = tpu.memref_slice %arg3[%add3A_189] : memref<1600000xi32, #tpu.memory_space<hbm>> -> memref<2000xi32, #tpu.memory_space<hbm>>
          %dma_start3A_191 = tpu.memref_slice %arg3[%add3A_189] : memref<1600000xi32, #tpu.memory_space<hbm>> -> memref<2000xi32, #tpu.memory_space<hbm>>
          tpu.enqueue_dma source(%dma_start3A_191 : memref<2000xi32, #tpu.memory_space<hbm>>) target(%arg12 : memref<2000xi32, #tpu.memory_space<vmem>>) target_semaphore(%arg25 : memref<!tpu.dma_semaphore, #tpu.memory_space<semaphore_mem>>)
        } else {
        }
        %add3A_167 = arith.constant 8000 : i32
        %add3A_168 = arith.addi %add3A_85, %add3A_167 : i32
        %dma_wait3A_169 = tpu.memref_slice %arg3[%add3A_168] : memref<1600000xi32, #tpu.memory_space<hbm>> -> memref<2000xi32, #tpu.memory_space<hbm>>
        %dma_wait3A_170 = tpu.memref_slice %arg3[%add3A_168] : memref<1600000xi32, #tpu.memory_space<hbm>> -> memref<2000xi32, #tpu.memory_space<hbm>>
        tpu.wait_dma2 semaphore(%arg26 : memref<!tpu.dma_semaphore, #tpu.memory_space<semaphore_mem>>) src(%dma_wait3A_170 : memref<2000xi32, #tpu.memory_space<hbm>>) dst(%arg13 : memref<2000xi32, #tpu.memory_space<vmem>>)
        %gt3A_171 = arith.constant 0 : i32
        %gt3A_172 = arith.cmpi sgt, %add3A_82, %gt3A_171 : i32
        %convert_element_type3A_173 = arith.extui %gt3A_172 : i1 to i32
        %cond3A_174 = arith.constant 0 : i32
        %cond3A_175 = arith.cmpi ne, %convert_element_type3A_173, %cond3A_174 : i32
        scf.if %cond3A_175 {
          %dma_wait3A_188 = tpu.memref_slice %arg5[%add3A_168] : memref<1600000xf32, #tpu.memory_space<hbm>> -> memref<2000xf32, #tpu.memory_space<hbm>>
          %dma_wait3A_189 = tpu.memref_slice %arg5[%add3A_168] : memref<1600000xf32, #tpu.memory_space<hbm>> -> memref<2000xf32, #tpu.memory_space<hbm>>
          tpu.wait_dma2 semaphore(%arg31 : memref<!tpu.dma_semaphore, #tpu.memory_space<semaphore_mem>>) src(%arg18 : memref<2000xf32, #tpu.memory_space<vmem>>) dst(%dma_wait3A_189 : memref<2000xf32, #tpu.memory_space<hbm>>)
        } else {
        }
        %parallel_loop3A_176 = arith.constant 0 : i32
        %parallel_loop3A_177 = arith.constant 125 : i32
        %parallel_loop3A_178 = arith.constant 1 : i32
        scf.for %parallel_loop3A_188 = %parallel_loop3A_176 to %parallel_loop3A_177 step %parallel_loop3A_178  : i32 {
          %parallel_loop3A_189 = arith.constant 16 : i32
          %parallel_loop3A_190 = arith.muli %parallel_loop3A_188, %parallel_loop3A_189 : i32
          %parallel_loop3A_191 = arith.index_cast %parallel_loop3A_190 : i32 to index
          %parallel_loop3A_192 = tpu.vector_load %arg13[%parallel_loop3A_191] {strides = array<i32>} : memref<2000xi32, #tpu.memory_space<vmem>>, vector<16xi32>,
          %parallel_loop3A_193 = tpu.vector_load_idx %arg7[%parallel_loop3A_192] : memref<100000xf32, #tpu.memory_space<vmem>>[vector<16xi32>], vector<16xf32>,
          %parallel_loop3A_194 = arith.constant 16 : i32
          %parallel_loop3A_195 = arith.muli %parallel_loop3A_188, %parallel_loop3A_194 : i32
          %parallel_loop3A_196 = arith.index_cast %parallel_loop3A_195 : i32 to index
          %parallel_loop3A_197 = tpu.vector_load %arg18[%parallel_loop3A_196] {strides = array<i32>} : memref<2000xf32, #tpu.memory_space<vmem>>, vector<16xf32>,
          tpu.vector_store %arg18[%parallel_loop3A_196], %parallel_loop3A_193 {strides = array<i32>} : memref<2000xf32, #tpu.memory_space<vmem>>, vector<16xf32>,
        } {sc.loop_unroll_factor = 25 : i64, sc.parallel_access}
        %dma_start3A_179 = tpu.memref_slice %arg5[%add3A_168] : memref<1600000xf32, #tpu.memory_space<hbm>> -> memref<2000xf32, #tpu.memory_space<hbm>>
        %dma_start3A_180 = tpu.memref_slice %arg5[%add3A_168] : memref<1600000xf32, #tpu.memory_space<hbm>> -> memref<2000xf32, #tpu.memory_space<hbm>>
        tpu.enqueue_dma source(%arg18 : memref<2000xf32, #tpu.memory_space<vmem>>) target(%dma_start3A_180 : memref<2000xf32, #tpu.memory_space<hbm>>) target_semaphore(%arg31 : memref<!tpu.dma_semaphore, #tpu.memory_space<semaphore_mem>>)
        %add3A_181 = arith.constant 1 : i32
        %add3A_182 = arith.addi %add3A_82, %add3A_181 : i32
        %lt3A_183 = arith.constant 10 : i32
        %lt3A_184 = arith.cmpi slt, %add3A_182, %lt3A_183 : i32
        %convert_element_type3A_185 = arith.extui %lt3A_184 : i1 to i32
        %cond3A_186 = arith.constant 0 : i32
        %cond3A_187 = arith.cmpi ne, %convert_element_type3A_185, %cond3A_186 : i32
        scf.if %cond3A_187 {
          %add3A_188 = arith.constant 10000 : i32
          %add3A_189 = arith.addi %add3A_168, %add3A_188 : i32
          %dma_start3A_190 = tpu.memref_slice %arg3[%add3A_189] : memref<1600000xi32, #tpu.memory_space<hbm>> -> memref<2000xi32, #tpu.memory_space<hbm>>
          %dma_start3A_191 = tpu.memref_slice %arg3[%add3A_189] : memref<1600000xi32, #tpu.memory_space<hbm>> -> memref<2000xi32, #tpu.memory_space<hbm>>
          tpu.enqueue_dma source(%dma_start3A_191 : memref<2000xi32, #tpu.memory_space<hbm>>) target(%arg13 : memref<2000xi32, #tpu.memory_space<vmem>>) target_semaphore(%arg26 : memref<!tpu.dma_semaphore, #tpu.memory_space<semaphore_mem>>)
        } else {
        }
      }
      %scan3A_57 = arith.constant 10 : i32
      %dma_wait3A_58 = arith.constant 0 : i32
      %dma_wait3A_59 = tpu.memref_slice %arg5[%dma_wait3A_58] : memref<1600000xf32, #tpu.memory_space<hbm>> -> memref<2000xf32, #tpu.memory_space<hbm>>
      %dma_wait3A_60 = arith.constant 0 : i32
      %dma_wait3A_61 = tpu.memref_slice %arg5[%dma_wait3A_60] : memref<1600000xf32, #tpu.memory_space<hbm>> -> memref<2000xf32, #tpu.memory_space<hbm>>
      tpu.wait_dma2 semaphore(%arg27 : memref<!tpu.dma_semaphore, #tpu.memory_space<semaphore_mem>>) src(%arg14 : memref<2000xf32, #tpu.memory_space<vmem>>) dst(%dma_wait3A_61 : memref<2000xf32, #tpu.memory_space<hbm>>)
      %dma_wait3A_62 = arith.constant 0 : i32
      %dma_wait3A_63 = tpu.memref_slice %arg5[%dma_wait3A_62] : memref<1600000xf32, #tpu.memory_space<hbm>> -> memref<2000xf32, #tpu.memory_space<hbm>>
      %dma_wait3A_64 = arith.constant 0 : i32
      %dma_wait3A_65 = tpu.memref_slice %arg5[%dma_wait3A_64] : memref<1600000xf32, #tpu.memory_space<hbm>> -> memref<2000xf32, #tpu.memory_space<hbm>>
      tpu.wait_dma2 semaphore(%arg28 : memref<!tpu.dma_semaphore, #tpu.memory_space<semaphore_mem>>) src(%arg15 : memref<2000xf32, #tpu.memory_space<vmem>>) dst(%dma_wait3A_65 : memref<2000xf32, #tpu.memory_space<hbm>>)
      %dma_wait3A_66 = arith.constant 0 : i32
      %dma_wait3A_67 = tpu.memref_slice %arg5[%dma_wait3A_66] : memref<1600000xf32, #tpu.memory_space<hbm>> -> memref<2000xf32, #tpu.memory_space<hbm>>
      %dma_wait3A_68 = arith.constant 0 : i32
      %dma_wait3A_69 = tpu.memref_slice %arg5[%dma_wait3A_68] : memref<1600000xf32, #tpu.memory_space<hbm>> -> memref<2000xf32, #tpu.memory_space<hbm>>
      tpu.wait_dma2 semaphore(%arg29 : memref<!tpu.dma_semaphore, #tpu.memory_space<semaphore_mem>>) src(%arg16 : memref<2000xf32, #tpu.memory_space<vmem>>) dst(%dma_wait3A_69 : memref<2000xf32, #tpu.memory_space<hbm>>)
      %dma_wait3A_70 = arith.constant 0 : i32
      %dma_wait3A_71 = tpu.memref_slice %arg5[%dma_wait3A_70] : memref<1600000xf32, #tpu.memory_space<hbm>> -> memref<2000xf32, #tpu.memory_space<hbm>>
      %dma_wait3A_72 = arith.constant 0 : i32
      %dma_wait3A_73 = tpu.memref_slice %arg5[%dma_wait3A_72] : memref<1600000xf32, #tpu.memory_space<hbm>> -> memref<2000xf32, #tpu.memory_space<hbm>>
      tpu.wait_dma2 semaphore(%arg30 : memref<!tpu.dma_semaphore, #tpu.memory_space<semaphore_mem>>) src(%arg17 : memref<2000xf32, #tpu.memory_space<vmem>>) dst(%dma_wait3A_73 : memref<2000xf32, #tpu.memory_space<hbm>>)
      %dma_wait3A_74 = arith.constant 0 : i32
      %dma_wait3A_75 = tpu.memref_slice %arg5[%dma_wait3A_74] : memref<1600000xf32, #tpu.memory_space<hbm>> -> memref<2000xf32, #tpu.memory_space<hbm>>
      %dma_wait3A_76 = arith.constant 0 : i32
      %dma_wait3A_77 = tpu.memref_slice %arg5[%dma_wait3A_76] : memref<1600000xf32, #tpu.memory_space<hbm>> -> memref<2000xf32, #tpu.memory_space<hbm>>
      tpu.wait_dma2 semaphore(%arg31 : memref<!tpu.dma_semaphore, #tpu.memory_space<semaphore_mem>>) src(%arg18 : memref<2000xf32, #tpu.memory_space<vmem>>) dst(%dma_wait3A_77 : memref<2000xf32, #tpu.memory_space<hbm>>)
    } else {
    }
    %eq3A_3 = arith.constant 1 : i32
    %eq3A_4 = arith.cmpi eq, %arg0, %eq3A_3 : i32
    %convert_element_type3A_5 = arith.extui %eq3A_4 : i1 to i32
    %cond3A_6 = arith.constant 0 : i32
    %cond3A_7 = arith.cmpi ne, %convert_element_type3A_5, %cond3A_6 : i32
    scf.if %cond3A_7 {
      %eq3A_8 = arith.constant 0 : i32
      %eq3A_9 = arith.cmpi eq, %arg1, %eq3A_8 : i32
      %convert_element_type3A_10 = arith.extui %eq3A_9 : i1 to i32
      %cond3A_11 = arith.constant 0 : i32
      %cond3A_12 = arith.cmpi ne, %convert_element_type3A_10, %cond3A_11 : i32
      scf.if %cond3A_12 {
        %dma_start3A_78 = arith.constant 100000 : i32
        %dma_start3A_79 = tpu.memref_slice %arg2[%dma_start3A_78] : memref<200000xf32, #tpu.memory_space<hbm>> -> memref<50000xf32, #tpu.memory_space<hbm>>
        tpu.enqueue_dma source(%dma_start3A_79 : memref<50000xf32, #tpu.memory_space<hbm>>) target(%arg8 : memref<50000xf32, #tpu.memory_space<vmem_shared>>) target_semaphore(%arg19 : memref<!tpu.dma_semaphore, #tpu.memory_space<semaphore_mem>>)
        %dma_wait3A_80 = arith.constant 100000 : i32
        %dma_wait3A_81 = tpu.memref_slice %arg2[%dma_wait3A_80] : memref<200000xf32, #tpu.memory_space<hbm>> -> memref<50000xf32, #tpu.memory_space<hbm>>
        tpu.wait_dma2 semaphore(%arg19 : memref<!tpu.dma_semaphore, #tpu.memory_space<semaphore_mem>>) src(%dma_wait3A_81 : memref<50000xf32, #tpu.memory_space<hbm>>) dst(%arg8 : memref<50000xf32, #tpu.memory_space<vmem_shared>>)
      } else {
      }
      %barrier3A = arith.constant 0 : index
      tpu.barrier barrier_id(%barrier3A)
      %add3A = arith.constant 0 : i32
      %add3A_13 = arith.addi %mul3A_0, %add3A : i32
      %dma_start3A = tpu.memref_slice %arg4[%add3A_13] : memref<1600000xi32, #tpu.memory_space<hbm>> -> memref<2000xi32, #tpu.memory_space<hbm>>
      %dma_start3A_14 = tpu.memref_slice %arg4[%add3A_13] : memref<1600000xi32, #tpu.memory_space<hbm>> -> memref<2000xi32, #tpu.memory_space<hbm>>
      tpu.enqueue_dma source(%dma_start3A_14 : memref<2000xi32, #tpu.memory_space<hbm>>) target(%arg9 : memref<2000xi32, #tpu.memory_space<vmem>>) target_semaphore(%arg22 : memref<!tpu.dma_semaphore, #tpu.memory_space<semaphore_mem>>)
      %add3A_15 = arith.constant 2000 : i32
      %add3A_16 = arith.addi %mul3A_0, %add3A_15 : i32
      %dma_start3A_17 = tpu.memref_slice %arg4[%add3A_16] : memref<1600000xi32, #tpu.memory_space<hbm>> -> memref<2000xi32, #tpu.memory_space<hbm>>
      %dma_start3A_18 = tpu.memref_slice %arg4[%add3A_16] : memref<1600000xi32, #tpu.memory_space<hbm>> -> memref<2000xi32, #tpu.memory_space<hbm>>
      tpu.enqueue_dma source(%dma_start3A_18 : memref<2000xi32, #tpu.memory_space<hbm>>) target(%arg10 : memref<2000xi32, #tpu.memory_space<vmem>>) target_semaphore(%arg23 : memref<!tpu.dma_semaphore, #tpu.memory_space<semaphore_mem>>)
      %add3A_19 = arith.constant 4000 : i32
      %add3A_20 = arith.addi %mul3A_0, %add3A_19 : i32
      %dma_start3A_21 = tpu.memref_slice %arg4[%add3A_20] : memref<1600000xi32, #tpu.memory_space<hbm>> -> memref<2000xi32, #tpu.memory_space<hbm>>
      %dma_start3A_22 = tpu.memref_slice %arg4[%add3A_20] : memref<1600000xi32, #tpu.memory_space<hbm>> -> memref<2000xi32, #tpu.memory_space<hbm>>
      tpu.enqueue_dma source(%dma_start3A_22 : memref<2000xi32, #tpu.memory_space<hbm>>) target(%arg11 : memref<2000xi32, #tpu.memory_space<vmem>>) target_semaphore(%arg24 : memref<!tpu.dma_semaphore, #tpu.memory_space<semaphore_mem>>)
      %add3A_23 = arith.constant 6000 : i32
      %add3A_24 = arith.addi %mul3A_0, %add3A_23 : i32
      %dma_start3A_25 = tpu.memref_slice %arg4[%add3A_24] : memref<1600000xi32, #tpu.memory_space<hbm>> -> memref<2000xi32, #tpu.memory_space<hbm>>
      %dma_start3A_26 = tpu.memref_slice %arg4[%add3A_24] : memref<1600000xi32, #tpu.memory_space<hbm>> -> memref<2000xi32, #tpu.memory_space<hbm>>
      tpu.enqueue_dma source(%dma_start3A_26 : memref<2000xi32, #tpu.memory_space<hbm>>) target(%arg12 : memref<2000xi32, #tpu.memory_space<vmem>>) target_semaphore(%arg25 : memref<!tpu.dma_semaphore, #tpu.memory_space<semaphore_mem>>)
      %add3A_27 = arith.constant 8000 : i32
      %add3A_28 = arith.addi %mul3A_0, %add3A_27 : i32
      %dma_start3A_29 = tpu.memref_slice %arg4[%add3A_28] : memref<1600000xi32, #tpu.memory_space<hbm>> -> memref<2000xi32, #tpu.memory_space<hbm>>
      %dma_start3A_30 = tpu.memref_slice %arg4[%add3A_28] : memref<1600000xi32, #tpu.memory_space<hbm>> -> memref<2000xi32, #tpu.memory_space<hbm>>
      tpu.enqueue_dma source(%dma_start3A_30 : memref<2000xi32, #tpu.memory_space<hbm>>) target(%arg13 : memref<2000xi32, #tpu.memory_space<vmem>>) target_semaphore(%arg26 : memref<!tpu.dma_semaphore, #tpu.memory_space<semaphore_mem>>)
      %dma_start3A_31 = arith.constant 0 : i32
      %dma_start3A_32 = tpu.memref_slice %arg7[%dma_start3A_31] : memref<100000xf32, #tpu.memory_space<vmem>> -> memref<50000xf32, #tpu.memory_space<vmem>>
      %dma_start3A_33 = arith.constant 0 : i32
      %dma_start3A_34 = tpu.memref_slice %arg7[%dma_start3A_33] : memref<100000xf32, #tpu.memory_space<vmem>> -> memref<50000xf32, #tpu.memory_space<vmem>>
      tpu.enqueue_dma source(%arg8 : memref<50000xf32, #tpu.memory_space<vmem_shared>>) target(%dma_start3A_34 : memref<50000xf32, #tpu.memory_space<vmem>>) target_semaphore(%arg20 : memref<!tpu.dma_semaphore, #tpu.memory_space<semaphore_mem>>)
      %dma_start3A_35 = arith.constant 50000 : i32
      %dma_start3A_36 = tpu.memref_slice %arg7[%dma_start3A_35] : memref<100000xf32, #tpu.memory_space<vmem>> -> memref<50000xf32, #tpu.memory_space<vmem>>
      %dma_start3A_37 = arith.constant 150000 : i32
      %dma_start3A_38 = tpu.memref_slice %arg2[%dma_start3A_37] : memref<200000xf32, #tpu.memory_space<hbm>> -> memref<50000xf32, #tpu.memory_space<hbm>>
      %dma_start3A_39 = arith.constant 50000 : i32
      %dma_start3A_40 = tpu.memref_slice %arg7[%dma_start3A_39] : memref<100000xf32, #tpu.memory_space<vmem>> -> memref<50000xf32, #tpu.memory_space<vmem>>
      %dma_start3A_41 = arith.constant 150000 : i32
      %dma_start3A_42 = tpu.memref_slice %arg2[%dma_start3A_41] : memref<200000xf32, #tpu.memory_space<hbm>> -> memref<50000xf32, #tpu.memory_space<hbm>>
      tpu.enqueue_dma source(%dma_start3A_42 : memref<50000xf32, #tpu.memory_space<hbm>>) target(%dma_start3A_40 : memref<50000xf32, #tpu.memory_space<vmem>>) target_semaphore(%arg21 : memref<!tpu.dma_semaphore, #tpu.memory_space<semaphore_mem>>)
      %dma_wait3A = arith.constant 0 : i32
      %dma_wait3A_43 = tpu.memref_slice %arg7[%dma_wait3A] : memref<100000xf32, #tpu.memory_space<vmem>> -> memref<50000xf32, #tpu.memory_space<vmem>>
      %dma_wait3A_44 = arith.constant 0 : i32
      %dma_wait3A_45 = tpu.memref_slice %arg7[%dma_wait3A_44] : memref<100000xf32, #tpu.memory_space<vmem>> -> memref<50000xf32, #tpu.memory_space<vmem>>
      tpu.wait_dma2 semaphore(%arg20 : memref<!tpu.dma_semaphore, #tpu.memory_space<semaphore_mem>>) src(%arg8 : memref<50000xf32, #tpu.memory_space<vmem_shared>>) dst(%dma_wait3A_45 : memref<50000xf32, #tpu.memory_space<vmem>>)
      %dma_wait3A_46 = arith.constant 50000 : i32
      %dma_wait3A_47 = tpu.memref_slice %arg7[%dma_wait3A_46] : memref<100000xf32, #tpu.memory_space<vmem>> -> memref<50000xf32, #tpu.memory_space<vmem>>
      %dma_wait3A_48 = arith.constant 150000 : i32
      %dma_wait3A_49 = tpu.memref_slice %arg2[%dma_wait3A_48] : memref<200000xf32, #tpu.memory_space<hbm>> -> memref<50000xf32, #tpu.memory_space<hbm>>
      %dma_wait3A_50 = arith.constant 50000 : i32
      %dma_wait3A_51 = tpu.memref_slice %arg7[%dma_wait3A_50] : memref<100000xf32, #tpu.memory_space<vmem>> -> memref<50000xf32, #tpu.memory_space<vmem>>
      %dma_wait3A_52 = arith.constant 150000 : i32
      %dma_wait3A_53 = tpu.memref_slice %arg2[%dma_wait3A_52] : memref<200000xf32, #tpu.memory_space<hbm>> -> memref<50000xf32, #tpu.memory_space<hbm>>
      tpu.wait_dma2 semaphore(%arg21 : memref<!tpu.dma_semaphore, #tpu.memory_space<semaphore_mem>>) src(%dma_wait3A_53 : memref<50000xf32, #tpu.memory_space<hbm>>) dst(%dma_wait3A_51 : memref<50000xf32, #tpu.memory_space<vmem>>)
      %scan3A = arith.constant 0 : i32
      %scan3A_54 = arith.constant 10 : i32
      %scan3A_55 = arith.addi %scan3A, %scan3A_54 : i32
      %scan3A_56 = arith.constant 1 : i32
      scf.for %scan3A_78 = %scan3A to %scan3A_55 step %scan3A_56  : i32 {
        %mul3A_79 = arith.constant 1 : i32
        %mul3A_80 = arith.muli %scan3A_78, %mul3A_79 : i32
        %add3A_81 = arith.constant 0 : i32
        %add3A_82 = arith.addi %add3A_81, %mul3A_80 : i32
        %mul3A_83 = arith.constant 10000 : i32
        %mul3A_84 = arith.muli %add3A_82, %mul3A_83 : i32
        %add3A_85 = arith.addi %mul3A_0, %mul3A_84 : i32
        %add3A_86 = arith.constant 0 : i32
        %add3A_87 = arith.addi %add3A_85, %add3A_86 : i32
        %dma_wait3A_88 = tpu.memref_slice %arg4[%add3A_87] : memref<1600000xi32, #tpu.memory_space<hbm>> -> memref<2000xi32, #tpu.memory_space<hbm>>
        %dma_wait3A_89 = tpu.memref_slice %arg4[%add3A_87] : memref<1600000xi32, #tpu.memory_space<hbm>> -> memref<2000xi32, #tpu.memory_space<hbm>>
        tpu.wait_dma2 semaphore(%arg22 : memref<!tpu.dma_semaphore, #tpu.memory_space<semaphore_mem>>) src(%dma_wait3A_89 : memref<2000xi32, #tpu.memory_space<hbm>>) dst(%arg9 : memref<2000xi32, #tpu.memory_space<vmem>>)
        %gt3A = arith.constant 0 : i32
        %gt3A_90 = arith.cmpi sgt, %add3A_82, %gt3A : i32
        %convert_element_type3A_91 = arith.extui %gt3A_90 : i1 to i32
        %cond3A_92 = arith.constant 0 : i32
        %cond3A_93 = arith.cmpi ne, %convert_element_type3A_91, %cond3A_92 : i32
        scf.if %cond3A_93 {
          %dma_wait3A_188 = tpu.memref_slice %arg6[%add3A_87] : memref<1600000xf32, #tpu.memory_space<hbm>> -> memref<2000xf32, #tpu.memory_space<hbm>>
          %dma_wait3A_189 = tpu.memref_slice %arg6[%add3A_87] : memref<1600000xf32, #tpu.memory_space<hbm>> -> memref<2000xf32, #tpu.memory_space<hbm>>
          tpu.wait_dma2 semaphore(%arg27 : memref<!tpu.dma_semaphore, #tpu.memory_space<semaphore_mem>>) src(%arg14 : memref<2000xf32, #tpu.memory_space<vmem>>) dst(%dma_wait3A_189 : memref<2000xf32, #tpu.memory_space<hbm>>)
        } else {
        }
        %parallel_loop3A = arith.constant 0 : i32
        %parallel_loop3A_94 = arith.constant 125 : i32
        %parallel_loop3A_95 = arith.constant 1 : i32
        scf.for %parallel_loop3A_188 = %parallel_loop3A to %parallel_loop3A_94 step %parallel_loop3A_95  : i32 {
          %parallel_loop3A_189 = arith.constant 16 : i32
          %parallel_loop3A_190 = arith.muli %parallel_loop3A_188, %parallel_loop3A_189 : i32
          %parallel_loop3A_191 = arith.index_cast %parallel_loop3A_190 : i32 to index
          %parallel_loop3A_192 = tpu.vector_load %arg9[%parallel_loop3A_191] {strides = array<i32>} : memref<2000xi32, #tpu.memory_space<vmem>>, vector<16xi32>,
          %parallel_loop3A_193 = tpu.vector_load_idx %arg7[%parallel_loop3A_192] : memref<100000xf32, #tpu.memory_space<vmem>>[vector<16xi32>], vector<16xf32>,
          %parallel_loop3A_194 = arith.constant 16 : i32
          %parallel_loop3A_195 = arith.muli %parallel_loop3A_188, %parallel_loop3A_194 : i32
          %parallel_loop3A_196 = arith.index_cast %parallel_loop3A_195 : i32 to index
          %parallel_loop3A_197 = tpu.vector_load %arg14[%parallel_loop3A_196] {strides = array<i32>} : memref<2000xf32, #tpu.memory_space<vmem>>, vector<16xf32>,
          tpu.vector_store %arg14[%parallel_loop3A_196], %parallel_loop3A_193 {strides = array<i32>} : memref<2000xf32, #tpu.memory_space<vmem>>, vector<16xf32>,
        } {sc.loop_unroll_factor = 25 : i64, sc.parallel_access}
        %dma_start3A_96 = tpu.memref_slice %arg6[%add3A_87] : memref<1600000xf32, #tpu.memory_space<hbm>> -> memref<2000xf32, #tpu.memory_space<hbm>>
        %dma_start3A_97 = tpu.memref_slice %arg6[%add3A_87] : memref<1600000xf32, #tpu.memory_space<hbm>> -> memref<2000xf32, #tpu.memory_space<hbm>>
        tpu.enqueue_dma source(%arg14 : memref<2000xf32, #tpu.memory_space<vmem>>) target(%dma_start3A_97 : memref<2000xf32, #tpu.memory_space<hbm>>) target_semaphore(%arg27 : memref<!tpu.dma_semaphore, #tpu.memory_space<semaphore_mem>>)
        %add3A_98 = arith.constant 1 : i32
        %add3A_99 = arith.addi %add3A_82, %add3A_98 : i32
        %lt3A = arith.constant 10 : i32
        %lt3A_100 = arith.cmpi slt, %add3A_99, %lt3A : i32
        %convert_element_type3A_101 = arith.extui %lt3A_100 : i1 to i32
        %cond3A_102 = arith.constant 0 : i32
        %cond3A_103 = arith.cmpi ne, %convert_element_type3A_101, %cond3A_102 : i32
        scf.if %cond3A_103 {
          %add3A_188 = arith.constant 10000 : i32
          %add3A_189 = arith.addi %add3A_87, %add3A_188 : i32
          %dma_start3A_190 = tpu.memref_slice %arg4[%add3A_189] : memref<1600000xi32, #tpu.memory_space<hbm>> -> memref<2000xi32, #tpu.memory_space<hbm>>
          %dma_start3A_191 = tpu.memref_slice %arg4[%add3A_189] : memref<1600000xi32, #tpu.memory_space<hbm>> -> memref<2000xi32, #tpu.memory_space<hbm>>
          tpu.enqueue_dma source(%dma_start3A_191 : memref<2000xi32, #tpu.memory_space<hbm>>) target(%arg9 : memref<2000xi32, #tpu.memory_space<vmem>>) target_semaphore(%arg22 : memref<!tpu.dma_semaphore, #tpu.memory_space<semaphore_mem>>)
        } else {
        }
        %add3A_104 = arith.constant 2000 : i32
        %add3A_105 = arith.addi %add3A_85, %add3A_104 : i32
        %dma_wait3A_106 = tpu.memref_slice %arg4[%add3A_105] : memref<1600000xi32, #tpu.memory_space<hbm>> -> memref<2000xi32, #tpu.memory_space<hbm>>
        %dma_wait3A_107 = tpu.memref_slice %arg4[%add3A_105] : memref<1600000xi32, #tpu.memory_space<hbm>> -> memref<2000xi32, #tpu.memory_space<hbm>>
        tpu.wait_dma2 semaphore(%arg23 : memref<!tpu.dma_semaphore, #tpu.memory_space<semaphore_mem>>) src(%dma_wait3A_107 : memref<2000xi32, #tpu.memory_space<hbm>>) dst(%arg10 : memref<2000xi32, #tpu.memory_space<vmem>>)
        %gt3A_108 = arith.constant 0 : i32
        %gt3A_109 = arith.cmpi sgt, %add3A_82, %gt3A_108 : i32
        %convert_element_type3A_110 = arith.extui %gt3A_109 : i1 to i32
        %cond3A_111 = arith.constant 0 : i32
        %cond3A_112 = arith.cmpi ne, %convert_element_type3A_110, %cond3A_111 : i32
        scf.if %cond3A_112 {
          %dma_wait3A_188 = tpu.memref_slice %arg6[%add3A_105] : memref<1600000xf32, #tpu.memory_space<hbm>> -> memref<2000xf32, #tpu.memory_space<hbm>>
          %dma_wait3A_189 = tpu.memref_slice %arg6[%add3A_105] : memref<1600000xf32, #tpu.memory_space<hbm>> -> memref<2000xf32, #tpu.memory_space<hbm>>
          tpu.wait_dma2 semaphore(%arg28 : memref<!tpu.dma_semaphore, #tpu.memory_space<semaphore_mem>>) src(%arg15 : memref<2000xf32, #tpu.memory_space<vmem>>) dst(%dma_wait3A_189 : memref<2000xf32, #tpu.memory_space<hbm>>)
        } else {
        }
        %parallel_loop3A_113 = arith.constant 0 : i32
        %parallel_loop3A_114 = arith.constant 125 : i32
        %parallel_loop3A_115 = arith.constant 1 : i32
        scf.for %parallel_loop3A_188 = %parallel_loop3A_113 to %parallel_loop3A_114 step %parallel_loop3A_115  : i32 {
          %parallel_loop3A_189 = arith.constant 16 : i32
          %parallel_loop3A_190 = arith.muli %parallel_loop3A_188, %parallel_loop3A_189 : i32
          %parallel_loop3A_191 = arith.index_cast %parallel_loop3A_190 : i32 to index
          %parallel_loop3A_192 = tpu.vector_load %arg10[%parallel_loop3A_191] {strides = array<i32>} : memref<2000xi32, #tpu.memory_space<vmem>>, vector<16xi32>,
          %parallel_loop3A_193 = tpu.vector_load_idx %arg7[%parallel_loop3A_192] : memref<100000xf32, #tpu.memory_space<vmem>>[vector<16xi32>], vector<16xf32>,
          %parallel_loop3A_194 = arith.constant 16 : i32
          %parallel_loop3A_195 = arith.muli %parallel_loop3A_188, %parallel_loop3A_194 : i32
          %parallel_loop3A_196 = arith.index_cast %parallel_loop3A_195 : i32 to index
          %parallel_loop3A_197 = tpu.vector_load %arg15[%parallel_loop3A_196] {strides = array<i32>} : memref<2000xf32, #tpu.memory_space<vmem>>, vector<16xf32>,
          tpu.vector_store %arg15[%parallel_loop3A_196], %parallel_loop3A_193 {strides = array<i32>} : memref<2000xf32, #tpu.memory_space<vmem>>, vector<16xf32>,
        } {sc.loop_unroll_factor = 25 : i64, sc.parallel_access}
        %dma_start3A_116 = tpu.memref_slice %arg6[%add3A_105] : memref<1600000xf32, #tpu.memory_space<hbm>> -> memref<2000xf32, #tpu.memory_space<hbm>>
        %dma_start3A_117 = tpu.memref_slice %arg6[%add3A_105] : memref<1600000xf32, #tpu.memory_space<hbm>> -> memref<2000xf32, #tpu.memory_space<hbm>>
        tpu.enqueue_dma source(%arg15 : memref<2000xf32, #tpu.memory_space<vmem>>) target(%dma_start3A_117 : memref<2000xf32, #tpu.memory_space<hbm>>) target_semaphore(%arg28 : memref<!tpu.dma_semaphore, #tpu.memory_space<semaphore_mem>>)
        %add3A_118 = arith.constant 1 : i32
        %add3A_119 = arith.addi %add3A_82, %add3A_118 : i32
        %lt3A_120 = arith.constant 10 : i32
        %lt3A_121 = arith.cmpi slt, %add3A_119, %lt3A_120 : i32
        %convert_element_type3A_122 = arith.extui %lt3A_121 : i1 to i32
        %cond3A_123 = arith.constant 0 : i32
        %cond3A_124 = arith.cmpi ne, %convert_element_type3A_122, %cond3A_123 : i32
        scf.if %cond3A_124 {
          %add3A_188 = arith.constant 10000 : i32
          %add3A_189 = arith.addi %add3A_105, %add3A_188 : i32
          %dma_start3A_190 = tpu.memref_slice %arg4[%add3A_189] : memref<1600000xi32, #tpu.memory_space<hbm>> -> memref<2000xi32, #tpu.memory_space<hbm>>
          %dma_start3A_191 = tpu.memref_slice %arg4[%add3A_189] : memref<1600000xi32, #tpu.memory_space<hbm>> -> memref<2000xi32, #tpu.memory_space<hbm>>
          tpu.enqueue_dma source(%dma_start3A_191 : memref<2000xi32, #tpu.memory_space<hbm>>) target(%arg10 : memref<2000xi32, #tpu.memory_space<vmem>>) target_semaphore(%arg23 : memref<!tpu.dma_semaphore, #tpu.memory_space<semaphore_mem>>)
        } else {
        }
        %add3A_125 = arith.constant 4000 : i32
        %add3A_126 = arith.addi %add3A_85, %add3A_125 : i32
        %dma_wait3A_127 = tpu.memref_slice %arg4[%add3A_126] : memref<1600000xi32, #tpu.memory_space<hbm>> -> memref<2000xi32, #tpu.memory_space<hbm>>
        %dma_wait3A_128 = tpu.memref_slice %arg4[%add3A_126] : memref<1600000xi32, #tpu.memory_space<hbm>> -> memref<2000xi32, #tpu.memory_space<hbm>>
        tpu.wait_dma2 semaphore(%arg24 : memref<!tpu.dma_semaphore, #tpu.memory_space<semaphore_mem>>) src(%dma_wait3A_128 : memref<2000xi32, #tpu.memory_space<hbm>>) dst(%arg11 : memref<2000xi32, #tpu.memory_space<vmem>>)
        %gt3A_129 = arith.constant 0 : i32
        %gt3A_130 = arith.cmpi sgt, %add3A_82, %gt3A_129 : i32
        %convert_element_type3A_131 = arith.extui %gt3A_130 : i1 to i32
        %cond3A_132 = arith.constant 0 : i32
        %cond3A_133 = arith.cmpi ne, %convert_element_type3A_131, %cond3A_132 : i32
        scf.if %cond3A_133 {
          %dma_wait3A_188 = tpu.memref_slice %arg6[%add3A_126] : memref<1600000xf32, #tpu.memory_space<hbm>> -> memref<2000xf32, #tpu.memory_space<hbm>>
          %dma_wait3A_189 = tpu.memref_slice %arg6[%add3A_126] : memref<1600000xf32, #tpu.memory_space<hbm>> -> memref<2000xf32, #tpu.memory_space<hbm>>
          tpu.wait_dma2 semaphore(%arg29 : memref<!tpu.dma_semaphore, #tpu.memory_space<semaphore_mem>>) src(%arg16 : memref<2000xf32, #tpu.memory_space<vmem>>) dst(%dma_wait3A_189 : memref<2000xf32, #tpu.memory_space<hbm>>)
        } else {
        }
        %parallel_loop3A_134 = arith.constant 0 : i32
        %parallel_loop3A_135 = arith.constant 125 : i32
        %parallel_loop3A_136 = arith.constant 1 : i32
        scf.for %parallel_loop3A_188 = %parallel_loop3A_134 to %parallel_loop3A_135 step %parallel_loop3A_136  : i32 {
          %parallel_loop3A_189 = arith.constant 16 : i32
          %parallel_loop3A_190 = arith.muli %parallel_loop3A_188, %parallel_loop3A_189 : i32
          %parallel_loop3A_191 = arith.index_cast %parallel_loop3A_190 : i32 to index
          %parallel_loop3A_192 = tpu.vector_load %arg11[%parallel_loop3A_191] {strides = array<i32>} : memref<2000xi32, #tpu.memory_space<vmem>>, vector<16xi32>,
          %parallel_loop3A_193 = tpu.vector_load_idx %arg7[%parallel_loop3A_192] : memref<100000xf32, #tpu.memory_space<vmem>>[vector<16xi32>], vector<16xf32>,
          %parallel_loop3A_194 = arith.constant 16 : i32
          %parallel_loop3A_195 = arith.muli %parallel_loop3A_188, %parallel_loop3A_194 : i32
          %parallel_loop3A_196 = arith.index_cast %parallel_loop3A_195 : i32 to index
          %parallel_loop3A_197 = tpu.vector_load %arg16[%parallel_loop3A_196] {strides = array<i32>} : memref<2000xf32, #tpu.memory_space<vmem>>, vector<16xf32>,
          tpu.vector_store %arg16[%parallel_loop3A_196], %parallel_loop3A_193 {strides = array<i32>} : memref<2000xf32, #tpu.memory_space<vmem>>, vector<16xf32>,
        } {sc.loop_unroll_factor = 25 : i64, sc.parallel_access}
        %dma_start3A_137 = tpu.memref_slice %arg6[%add3A_126] : memref<1600000xf32, #tpu.memory_space<hbm>> -> memref<2000xf32, #tpu.memory_space<hbm>>
        %dma_start3A_138 = tpu.memref_slice %arg6[%add3A_126] : memref<1600000xf32, #tpu.memory_space<hbm>> -> memref<2000xf32, #tpu.memory_space<hbm>>
        tpu.enqueue_dma source(%arg16 : memref<2000xf32, #tpu.memory_space<vmem>>) target(%dma_start3A_138 : memref<2000xf32, #tpu.memory_space<hbm>>) target_semaphore(%arg29 : memref<!tpu.dma_semaphore, #tpu.memory_space<semaphore_mem>>)
        %add3A_139 = arith.constant 1 : i32
        %add3A_140 = arith.addi %add3A_82, %add3A_139 : i32
        %lt3A_141 = arith.constant 10 : i32
        %lt3A_142 = arith.cmpi slt, %add3A_140, %lt3A_141 : i32
        %convert_element_type3A_143 = arith.extui %lt3A_142 : i1 to i32
        %cond3A_144 = arith.constant 0 : i32
        %cond3A_145 = arith.cmpi ne, %convert_element_type3A_143, %cond3A_144 : i32
        scf.if %cond3A_145 {
          %add3A_188 = arith.constant 10000 : i32
          %add3A_189 = arith.addi %add3A_126, %add3A_188 : i32
          %dma_start3A_190 = tpu.memref_slice %arg4[%add3A_189] : memref<1600000xi32, #tpu.memory_space<hbm>> -> memref<2000xi32, #tpu.memory_space<hbm>>
          %dma_start3A_191 = tpu.memref_slice %arg4[%add3A_189] : memref<1600000xi32, #tpu.memory_space<hbm>> -> memref<2000xi32, #tpu.memory_space<hbm>>
          tpu.enqueue_dma source(%dma_start3A_191 : memref<2000xi32, #tpu.memory_space<hbm>>) target(%arg11 : memref<2000xi32, #tpu.memory_space<vmem>>) target_semaphore(%arg24 : memref<!tpu.dma_semaphore, #tpu.memory_space<semaphore_mem>>)
        } else {
        }
        %add3A_146 = arith.constant 6000 : i32
        %add3A_147 = arith.addi %add3A_85, %add3A_146 : i32
        %dma_wait3A_148 = tpu.memref_slice %arg4[%add3A_147] : memref<1600000xi32, #tpu.memory_space<hbm>> -> memref<2000xi32, #tpu.memory_space<hbm>>
        %dma_wait3A_149 = tpu.memref_slice %arg4[%add3A_147] : memref<1600000xi32, #tpu.memory_space<hbm>> -> memref<2000xi32, #tpu.memory_space<hbm>>
        tpu.wait_dma2 semaphore(%arg25 : memref<!tpu.dma_semaphore, #tpu.memory_space<semaphore_mem>>) src(%dma_wait3A_149 : memref<2000xi32, #tpu.memory_space<hbm>>) dst(%arg12 : memref<2000xi32, #tpu.memory_space<vmem>>)
        %gt3A_150 = arith.constant 0 : i32
        %gt3A_151 = arith.cmpi sgt, %add3A_82, %gt3A_150 : i32
        %convert_element_type3A_152 = arith.extui %gt3A_151 : i1 to i32
        %cond3A_153 = arith.constant 0 : i32
        %cond3A_154 = arith.cmpi ne, %convert_element_type3A_152, %cond3A_153 : i32
        scf.if %cond3A_154 {
          %dma_wait3A_188 = tpu.memref_slice %arg6[%add3A_147] : memref<1600000xf32, #tpu.memory_space<hbm>> -> memref<2000xf32, #tpu.memory_space<hbm>>
          %dma_wait3A_189 = tpu.memref_slice %arg6[%add3A_147] : memref<1600000xf32, #tpu.memory_space<hbm>> -> memref<2000xf32, #tpu.memory_space<hbm>>
          tpu.wait_dma2 semaphore(%arg30 : memref<!tpu.dma_semaphore, #tpu.memory_space<semaphore_mem>>) src(%arg17 : memref<2000xf32, #tpu.memory_space<vmem>>) dst(%dma_wait3A_189 : memref<2000xf32, #tpu.memory_space<hbm>>)
        } else {
        }
        %parallel_loop3A_155 = arith.constant 0 : i32
        %parallel_loop3A_156 = arith.constant 125 : i32
        %parallel_loop3A_157 = arith.constant 1 : i32
        scf.for %parallel_loop3A_188 = %parallel_loop3A_155 to %parallel_loop3A_156 step %parallel_loop3A_157  : i32 {
          %parallel_loop3A_189 = arith.constant 16 : i32
          %parallel_loop3A_190 = arith.muli %parallel_loop3A_188, %parallel_loop3A_189 : i32
          %parallel_loop3A_191 = arith.index_cast %parallel_loop3A_190 : i32 to index
          %parallel_loop3A_192 = tpu.vector_load %arg12[%parallel_loop3A_191] {strides = array<i32>} : memref<2000xi32, #tpu.memory_space<vmem>>, vector<16xi32>,
          %parallel_loop3A_193 = tpu.vector_load_idx %arg7[%parallel_loop3A_192] : memref<100000xf32, #tpu.memory_space<vmem>>[vector<16xi32>], vector<16xf32>,
          %parallel_loop3A_194 = arith.constant 16 : i32
          %parallel_loop3A_195 = arith.muli %parallel_loop3A_188, %parallel_loop3A_194 : i32
          %parallel_loop3A_196 = arith.index_cast %parallel_loop3A_195 : i32 to index
          %parallel_loop3A_197 = tpu.vector_load %arg17[%parallel_loop3A_196] {strides = array<i32>} : memref<2000xf32, #tpu.memory_space<vmem>>, vector<16xf32>,
          tpu.vector_store %arg17[%parallel_loop3A_196], %parallel_loop3A_193 {strides = array<i32>} : memref<2000xf32, #tpu.memory_space<vmem>>, vector<16xf32>,
        } {sc.loop_unroll_factor = 25 : i64, sc.parallel_access}
        %dma_start3A_158 = tpu.memref_slice %arg6[%add3A_147] : memref<1600000xf32, #tpu.memory_space<hbm>> -> memref<2000xf32, #tpu.memory_space<hbm>>
        %dma_start3A_159 = tpu.memref_slice %arg6[%add3A_147] : memref<1600000xf32, #tpu.memory_space<hbm>> -> memref<2000xf32, #tpu.memory_space<hbm>>
        tpu.enqueue_dma source(%arg17 : memref<2000xf32, #tpu.memory_space<vmem>>) target(%dma_start3A_159 : memref<2000xf32, #tpu.memory_space<hbm>>) target_semaphore(%arg30 : memref<!tpu.dma_semaphore, #tpu.memory_space<semaphore_mem>>)
        %add3A_160 = arith.constant 1 : i32
        %add3A_161 = arith.addi %add3A_82, %add3A_160 : i32
        %lt3A_162 = arith.constant 10 : i32
        %lt3A_163 = arith.cmpi slt, %add3A_161, %lt3A_162 : i32
        %convert_element_type3A_164 = arith.extui %lt3A_163 : i1 to i32
        %cond3A_165 = arith.constant 0 : i32
        %cond3A_166 = arith.cmpi ne, %convert_element_type3A_164, %cond3A_165 : i32
        scf.if %cond3A_166 {
          %add3A_188 = arith.constant 10000 : i32
          %add3A_189 = arith.addi %add3A_147, %add3A_188 : i32
          %dma_start3A_190 = tpu.memref_slice %arg4[%add3A_189] : memref<1600000xi32, #tpu.memory_space<hbm>> -> memref<2000xi32, #tpu.memory_space<hbm>>
          %dma_start3A_191 = tpu.memref_slice %arg4[%add3A_189] : memref<1600000xi32, #tpu.memory_space<hbm>> -> memref<2000xi32, #tpu.memory_space<hbm>>
          tpu.enqueue_dma source(%dma_start3A_191 : memref<2000xi32, #tpu.memory_space<hbm>>) target(%arg12 : memref<2000xi32, #tpu.memory_space<vmem>>) target_semaphore(%arg25 : memref<!tpu.dma_semaphore, #tpu.memory_space<semaphore_mem>>)
        } else {
        }
        %add3A_167 = arith.constant 8000 : i32
        %add3A_168 = arith.addi %add3A_85, %add3A_167 : i32
        %dma_wait3A_169 = tpu.memref_slice %arg4[%add3A_168] : memref<1600000xi32, #tpu.memory_space<hbm>> -> memref<2000xi32, #tpu.memory_space<hbm>>
        %dma_wait3A_170 = tpu.memref_slice %arg4[%add3A_168] : memref<1600000xi32, #tpu.memory_space<hbm>> -> memref<2000xi32, #tpu.memory_space<hbm>>
        tpu.wait_dma2 semaphore(%arg26 : memref<!tpu.dma_semaphore, #tpu.memory_space<semaphore_mem>>) src(%dma_wait3A_170 : memref<2000xi32, #tpu.memory_space<hbm>>) dst(%arg13 : memref<2000xi32, #tpu.memory_space<vmem>>)
        %gt3A_171 = arith.constant 0 : i32
        %gt3A_172 = arith.cmpi sgt, %add3A_82, %gt3A_171 : i32
        %convert_element_type3A_173 = arith.extui %gt3A_172 : i1 to i32
        %cond3A_174 = arith.constant 0 : i32
        %cond3A_175 = arith.cmpi ne, %convert_element_type3A_173, %cond3A_174 : i32
        scf.if %cond3A_175 {
          %dma_wait3A_188 = tpu.memref_slice %arg6[%add3A_168] : memref<1600000xf32, #tpu.memory_space<hbm>> -> memref<2000xf32, #tpu.memory_space<hbm>>
          %dma_wait3A_189 = tpu.memref_slice %arg6[%add3A_168] : memref<1600000xf32, #tpu.memory_space<hbm>> -> memref<2000xf32, #tpu.memory_space<hbm>>
          tpu.wait_dma2 semaphore(%arg31 : memref<!tpu.dma_semaphore, #tpu.memory_space<semaphore_mem>>) src(%arg18 : memref<2000xf32, #tpu.memory_space<vmem>>) dst(%dma_wait3A_189 : memref<2000xf32, #tpu.memory_space<hbm>>)
        } else {
        }
        %parallel_loop3A_176 = arith.constant 0 : i32
        %parallel_loop3A_177 = arith.constant 125 : i32
        %parallel_loop3A_178 = arith.constant 1 : i32
        scf.for %parallel_loop3A_188 = %parallel_loop3A_176 to %parallel_loop3A_177 step %parallel_loop3A_178  : i32 {
          %parallel_loop3A_189 = arith.constant 16 : i32
          %parallel_loop3A_190 = arith.muli %parallel_loop3A_188, %parallel_loop3A_189 : i32
          %parallel_loop3A_191 = arith.index_cast %parallel_loop3A_190 : i32 to index
          %parallel_loop3A_192 = tpu.vector_load %arg13[%parallel_loop3A_191] {strides = array<i32>} : memref<2000xi32, #tpu.memory_space<vmem>>, vector<16xi32>,
          %parallel_loop3A_193 = tpu.vector_load_idx %arg7[%parallel_loop3A_192] : memref<100000xf32, #tpu.memory_space<vmem>>[vector<16xi32>], vector<16xf32>,
          %parallel_loop3A_194 = arith.constant 16 : i32
          %parallel_loop3A_195 = arith.muli %parallel_loop3A_188, %parallel_loop3A_194 : i32
          %parallel_loop3A_196 = arith.index_cast %parallel_loop3A_195 : i32 to index
          %parallel_loop3A_197 = tpu.vector_load %arg18[%parallel_loop3A_196] {strides = array<i32>} : memref<2000xf32, #tpu.memory_space<vmem>>, vector<16xf32>,
          tpu.vector_store %arg18[%parallel_loop3A_196], %parallel_loop3A_193 {strides = array<i32>} : memref<2000xf32, #tpu.memory_space<vmem>>, vector<16xf32>,
        } {sc.loop_unroll_factor = 25 : i64, sc.parallel_access}
        %dma_start3A_179 = tpu.memref_slice %arg6[%add3A_168] : memref<1600000xf32, #tpu.memory_space<hbm>> -> memref<2000xf32, #tpu.memory_space<hbm>>
        %dma_start3A_180 = tpu.memref_slice %arg6[%add3A_168] : memref<1600000xf32, #tpu.memory_space<hbm>> -> memref<2000xf32, #tpu.memory_space<hbm>>
        tpu.enqueue_dma source(%arg18 : memref<2000xf32, #tpu.memory_space<vmem>>) target(%dma_start3A_180 : memref<2000xf32, #tpu.memory_space<hbm>>) target_semaphore(%arg31 : memref<!tpu.dma_semaphore, #tpu.memory_space<semaphore_mem>>)
        %add3A_181 = arith.constant 1 : i32
        %add3A_182 = arith.addi %add3A_82, %add3A_181 : i32
        %lt3A_183 = arith.constant 10 : i32
        %lt3A_184 = arith.cmpi slt, %add3A_182, %lt3A_183 : i32
        %convert_element_type3A_185 = arith.extui %lt3A_184 : i1 to i32
        %cond3A_186 = arith.constant 0 : i32
        %cond3A_187 = arith.cmpi ne, %convert_element_type3A_185, %cond3A_186 : i32
        scf.if %cond3A_187 {
          %add3A_188 = arith.constant 10000 : i32
          %add3A_189 = arith.addi %add3A_168, %add3A_188 : i32
          %dma_start3A_190 = tpu.memref_slice %arg4[%add3A_189] : memref<1600000xi32, #tpu.memory_space<hbm>> -> memref<2000xi32, #tpu.memory_space<hbm>>
          %dma_start3A_191 = tpu.memref_slice %arg4[%add3A_189] : memref<1600000xi32, #tpu.memory_space<hbm>> -> memref<2000xi32, #tpu.memory_space<hbm>>
          tpu.enqueue_dma source(%dma_start3A_191 : memref<2000xi32, #tpu.memory_space<hbm>>) target(%arg13 : memref<2000xi32, #tpu.memory_space<vmem>>) target_semaphore(%arg26 : memref<!tpu.dma_semaphore, #tpu.memory_space<semaphore_mem>>)
        } else {
        }
      }
      %scan3A_57 = arith.constant 10 : i32
      %dma_wait3A_58 = arith.constant 0 : i32
      %dma_wait3A_59 = tpu.memref_slice %arg6[%dma_wait3A_58] : memref<1600000xf32, #tpu.memory_space<hbm>> -> memref<2000xf32, #tpu.memory_space<hbm>>
      %dma_wait3A_60 = arith.constant 0 : i32
      %dma_wait3A_61 = tpu.memref_slice %arg6[%dma_wait3A_60] : memref<1600000xf32, #tpu.memory_space<hbm>> -> memref<2000xf32, #tpu.memory_space<hbm>>
      tpu.wait_dma2 semaphore(%arg27 : memref<!tpu.dma_semaphore, #tpu.memory_space<semaphore_mem>>) src(%arg14 : memref<2000xf32, #tpu.memory_space<vmem>>) dst(%dma_wait3A_61 : memref<2000xf32, #tpu.memory_space<hbm>>)
      %dma_wait3A_62 = arith.constant 0 : i32
      %dma_wait3A_63 = tpu.memref_slice %arg6[%dma_wait3A_62] : memref<1600000xf32, #tpu.memory_space<hbm>> -> memref<2000xf32, #tpu.memory_space<hbm>>
      %dma_wait3A_64 = arith.constant 0 : i32
      %dma_wait3A_65 = tpu.memref_slice %arg6[%dma_wait3A_64] : memref<1600000xf32, #tpu.memory_space<hbm>> -> memref<2000xf32, #tpu.memory_space<hbm>>
      tpu.wait_dma2 semaphore(%arg28 : memref<!tpu.dma_semaphore, #tpu.memory_space<semaphore_mem>>) src(%arg15 : memref<2000xf32, #tpu.memory_space<vmem>>) dst(%dma_wait3A_65 : memref<2000xf32, #tpu.memory_space<hbm>>)
      %dma_wait3A_66 = arith.constant 0 : i32
      %dma_wait3A_67 = tpu.memref_slice %arg6[%dma_wait3A_66] : memref<1600000xf32, #tpu.memory_space<hbm>> -> memref<2000xf32, #tpu.memory_space<hbm>>
      %dma_wait3A_68 = arith.constant 0 : i32
      %dma_wait3A_69 = tpu.memref_slice %arg6[%dma_wait3A_68] : memref<1600000xf32, #tpu.memory_space<hbm>> -> memref<2000xf32, #tpu.memory_space<hbm>>
      tpu.wait_dma2 semaphore(%arg29 : memref<!tpu.dma_semaphore, #tpu.memory_space<semaphore_mem>>) src(%arg16 : memref<2000xf32, #tpu.memory_space<vmem>>) dst(%dma_wait3A_69 : memref<2000xf32, #tpu.memory_space<hbm>>)
      %dma_wait3A_70 = arith.constant 0 : i32
      %dma_wait3A_71 = tpu.memref_slice %arg6[%dma_wait3A_70] : memref<1600000xf32, #tpu.memory_space<hbm>> -> memref<2000xf32, #tpu.memory_space<hbm>>
      %dma_wait3A_72 = arith.constant 0 : i32
      %dma_wait3A_73 = tpu.memref_slice %arg6[%dma_wait3A_72] : memref<1600000xf32, #tpu.memory_space<hbm>> -> memref<2000xf32, #tpu.memory_space<hbm>>
      tpu.wait_dma2 semaphore(%arg30 : memref<!tpu.dma_semaphore, #tpu.memory_space<semaphore_mem>>) src(%arg17 : memref<2000xf32, #tpu.memory_space<vmem>>) dst(%dma_wait3A_73 : memref<2000xf32, #tpu.memory_space<hbm>>)
      %dma_wait3A_74 = arith.constant 0 : i32
      %dma_wait3A_75 = tpu.memref_slice %arg6[%dma_wait3A_74] : memref<1600000xf32, #tpu.memory_space<hbm>> -> memref<2000xf32, #tpu.memory_space<hbm>>
      %dma_wait3A_76 = arith.constant 0 : i32
      %dma_wait3A_77 = tpu.memref_slice %arg6[%dma_wait3A_76] : memref<1600000xf32, #tpu.memory_space<hbm>> -> memref<2000xf32, #tpu.memory_space<hbm>>
      tpu.wait_dma2 semaphore(%arg31 : memref<!tpu.dma_semaphore, #tpu.memory_space<semaphore_mem>>) src(%arg18 : memref<2000xf32, #tpu.memory_space<vmem>>) dst(%dma_wait3A_77 : memref<2000xf32, #tpu.memory_space<hbm>>)
    } else {
    }
    return
  }
}

</mosaic_0001>

<sc_bundles>
// kernel: kernel.3.cloned.1.call-start
scs
__scs_entry_jumppad:
0x0: {  	(pc) =	sbr.rel $0x88, $3  }
0x1: {  	(tag) =	ssettag $0x0;
	lr =	simm.s32 $0x1  }
0x2: {  	[smem:$0x3F9E] =	sst lr;
	_ =	strace $0xD0000000  }
0x3: {  	_ = 	snop  }
0x4: {  	_ = 	snop  }
0x5: {  	_ = 	snop  }
0x6: {  	_ = 	snop  }
0x7: {  	_ = 	snop  }
__scs_overlays_trampoline_lowered:
0x8: {  	[smem:$0x3FAD] =	sst s0  }
0x9: {  	[smem:$0x3FAE] =	sst s1  }
0xa: {  	[smem:$0x3FAF] =	sst s2  }
0xb: {  	[smem:$0x3FB0] =	sst s3  }
0xc: {  	[smem:$0x3FB1] =	sst s4  }
0xd: {  	[smem:$0x3FB2] =	sst s5  }
0xe: {  	[smem:$0x3FB3] =	sst s6  }
0xf: {  	[smem:$0x3FB4] =	sst s7  }
0x10: {  	[smem:$0x3FB5] =	sst s8  }
0x11: {  	[smem:$0x3FB6] =	sst s9;
	s0 =	simm.s32 @!p0 $0x0  }
0x12: {  	s1 =	sld [smem:$0x3F9C];
	s0 =	simm.s32 @p0 $0x1  }
0x13: {  	[smem:$0x3FB7] =	sst s0;
	s0 =	simm.s32 @!p1 $0x0  }
0x14: {  	s2 =	sld [smem:$0x3F9B];
	s0 =	simm.s32 @p1 $0x1  }
0x15: {  	[smem:$0x3FB8] =	sst s0;
	s0 =	simm.s32 @!p2 $0x0  }
0x16: {  	s3 =	sld [smem:$0x3FDB];
	s0 =	simm.s32 @p2 $0x1  }
0x17: {  	s4 =	simm.s32 $0x1BF5;
	[smem:$0x3FBA] =	sst s0  }
0x18: {  	s0 =	sld [smem:$0x3F9D];
	_ =	swait.ge [sflag:s4], $0x0  }
0x19: {  	s7 =	sld [smem:$0x3F9E]  }
0x1a: {  	s8 =	sadd.s32 $0xFFFFE003, lr  }
0x1b: {  	s9 =	sadd.s32 $0xFFFFFEF7, lr;
	s5 =	simm.s32 $0xFFFFFFFF;
	p2 =	slt.u32 s8, $0xFFFFF086  }
0x1c: {  	p1 =	slt.u32 s9, $0xF7A;
	s5 =	simm.s32 @!p2 $0x0  }
0x1d: {  	s5 =	simm.s32 @p1 $0x1;
	p0 =	seq.s32 s7, s2  }
0x1e: {  	s7 =	smul.u32 @!p0 $0xF7A, s2;
	p2 =	seq.s32 @!p0 s5, $0x0  }
0x1f: {  	s9 =	smul.u32 $0xF7A, s1;
	s8 =	simm.s32 @!p0 $0x1BF5;
	p2 =	por !p2, p0  }
0x20: {  	[sflag:s8] =	ssyncset.s32 @!p0 $0xFFFFF086;
	s6 =	sadd.s32 @!p0 s3, s7;
	s7 =	simm.s32 @!p0 $0x108  }
0x21: {  	s3 =	sadd.s32 s3, s9;
	s6 =	sadd.s32 @!p0 $0x88, s6;
	s7 =	simm.s32 @p2 $0x1082  }
0x22: {  	[simem:s7], [sflag:s8] =	dma.local @!p0 [hbm:s6], $0xF7A  }
0x23: {  	s9 =	sor.u32 $0xD0000000, s2;
	s6 =	simm.s32 $0x108;
	_ =	swait.ge @!p0 [sflag:s8], $0x0  }
0x24: {  	s3 =	sadd.s32 $0x88, s3;
	s6 =	simm.s32 @!p1 $0x1082;
	[sflag:s4] =	ssyncset.s32 $0xFFFFF086  }
0x25: {  	[simem:s6], [sflag:s4] =	dma.local [hbm:s3], $0xF7A  }
0x26: {  	[smem:$0x3F9E] =	sst s1;
	(tag) =	ssettag s2;
	_ =	strace s9  }
0x27: {  	s1 =	sld [smem:$0x3FAE]  }
0x28: {  	s2 =	sld [smem:$0x3FAF]  }
0x29: {  	s4 =	sld [smem:$0x3FB1]  }
0x2a: {  	p0 =	seq.s32 s5, $0x0;
	s5 =	sld [smem:$0x3FB2]  }
0x2b: {  	s6 =	sld [smem:$0x3FB3]  }
0x2c: {  	s7 =	sld [smem:$0x3FB4]  }
0x2d: {  	s3 =	simm.s32 $0x108;
	s8 =	sld [smem:$0x3FB5]  }
0x2e: {  	s3 =	simm.s32 @!p0 $0x1082;
	s9 =	sld [smem:$0x3FB6]  }
0x2f: {  	lr =	sadd.s32 s0, s3;
	s0 =	sld [smem:$0x3FAD]  }
0x30: {  	s3 =	sld [smem:$0x3FB0]  }
0x31: {  	[smem:$0x3FB9] =	sst s10  }
0x32: {  	s10 =	sld [smem:$0x3FB7];
	_ =	sdelay $0x3  }
0x33: {  	p0 =	seq.s32 s10, $0x1;
	s10 =	sld [smem:$0x3FB9];
	_ =	sdelay $0x3  }
0x34: {  	[smem:$0x3FB9] =	sst s10  }
0x35: {  	s10 =	sld [smem:$0x3FB8];
	_ =	sdelay $0x3  }
0x36: {  	p1 =	seq.s32 s10, $0x1;
	s10 =	sld [smem:$0x3FB9];
	_ =	sdelay $0x3  }
0x37: {  	[smem:$0x3FB9] =	sst s10  }
0x38: {  	s10 =	sld [smem:$0x3FBA]  }
0x39: {  	_ = 	snop;
	(pc) =	sbr.ind lr, $3  }
0x3a: {  	_ = 	snop  }
0x3b: {  	_ = 	snop  }
0x3c: {  	p2 =	seq.s32 s10, $0x1;
	s10 =	sld [smem:$0x3FB9]  }
0x3d: {  	_ =	shalt  }
0x3e: {  	_ =	shalt  }
0x3f: {  	_ =	shalt  }
0x40: {  	_ =	shalt  }
0x41: {  	_ =	shalt  }
0x42: {  	_ =	shalt  }
0x43: {  	_ =	shalt  }
0x44: {  	_ =	shalt  }
0x45: {  	_ =	shalt  }
0x46: {  	_ =	shalt  }
0x47: {  	_ =	shalt  }
0x48: {  	_ =	shalt  }
0x49: {  	_ =	shalt  }
0x4a: {  	_ =	shalt  }
0x4b: {  	_ =	shalt  }
0x4c: {  	_ =	shalt  }
0x4d: {  	_ =	shalt  }
0x4e: {  	_ =	shalt  }
0x4f: {  	_ =	shalt  }
0x50: {  	_ =	shalt  }
0x51: {  	_ =	shalt  }
0x52: {  	_ =	shalt  }
0x53: {  	_ =	shalt  }
0x54: {  	_ =	shalt  }
0x55: {  	_ =	shalt  }
0x56: {  	_ =	shalt  }
0x57: {  	_ =	shalt  }
0x58: {  	_ =	shalt  }
0x59: {  	_ =	shalt  }
0x5a: {  	_ =	shalt  }
0x5b: {  	_ =	shalt  }
0x5c: {  	_ =	shalt  }
0x5d: {  	_ =	shalt  }
0x5e: {  	_ =	shalt  }
0x5f: {  	_ =	shalt  }
0x60: {  	_ =	shalt  }
0x61: {  	_ =	shalt  }
0x62: {  	_ =	shalt  }
0x63: {  	_ =	shalt  }
0x64: {  	_ =	shalt  }
0x65: {  	_ =	shalt  }
0x66: {  	_ =	shalt  }
0x67: {  	_ =	shalt  }
0x68: {  	_ =	shalt  }
0x69: {  	_ =	shalt  }
0x6a: {  	_ =	shalt  }
0x6b: {  	_ =	shalt  }
0x6c: {  	_ =	shalt  }
0x6d: {  	_ =	shalt  }
0x6e: {  	_ =	shalt  }
0x6f: {  	_ =	shalt  }
0x70: {  	_ =	shalt  }
0x71: {  	_ =	shalt  }
0x72: {  	_ =	shalt  }
0x73: {  	_ =	shalt  }
0x74: {  	_ =	shalt  }
0x75: {  	_ =	shalt  }
0x76: {  	_ =	shalt  }
0x77: {  	_ =	shalt  }
0x78: {  	_ =	shalt  }
0x79: {  	_ =	shalt  }
0x7a: {  	_ =	shalt  }
0x7b: {  	_ =	shalt  }
0x7c: {  	_ =	shalt  }
0x7d: {  	_ =	shalt  }
0x7e: {  	_ =	shalt  }
0x7f: {  	_ =	shalt  }
0x80: {  	_ =	shalt  }
0x81: {  	_ =	shalt  }
0x82: {  	_ =	shalt  }
0x83: {  	_ =	shalt  }
0x84: {  	_ =	shalt  }
0x85: {  	_ =	shalt  }
0x86: {  	_ =	shalt  }
0x87: {  	_ =	shalt  }
.Lfunc_end0:
.L_simem_size_0:
called_computation_lowered:
.L_overlay_start_0:
0x88: {  	s2 =	sld [smem:$0x3FD9]  }
0x89: {  	s3 =	sld [smem:$0x3FFE];
	_ =	sdelay $0x1  }
0x8a: {  	s1 =	srdreg.scid  }
0x8b: {  	s0 =	sand.u32 $0x1, s1  }
0x8c: {  	s15 =	sshll.u32 s0, $0xA;
	s2 =	sadd.s32 s3, s2  }
0x8d: {  	s2 =	sadd.s32 s2, s15  }
0x8e: {  	[smem:$0x3FC5] =	sst s2  }
0x8f: {  	_ = 	snop  }
0x90: {  	s2 =	sld [smem:$0x3FD0]  }
0x91: {  	s16 =	sld [smem:$0x3FC9]  }
0x92: {  	s4 =	sld [smem:$0x3FC8]  }
0x93: {  	s6 =	simm.s32 $0xA;
	s7 =	simm.s32 $0x10;
	s5 =	sld [smem:$0x3FC7]  }
0x94: {  	[smem:s7], [sflag:s6] =	dma.local [hbm:s2], $0x1  }
0x95: {  	_ =	swait.eq [sflag:s6], $0x1  }
0x96: {  	[sflag:s6] =	ssyncset.done $0x0  }
0x97: {  	s17 =	sld [smem:$0x10];
	[sflag:s6] =	ssyncadd.s32 $0xFFFFFFFF  }
0x98: {  	s18 =	sld [smem:$0x11];
	(tm) =	ssettm $0x1  }
0x99: {  	s19 =	sld [smem:$0x3FFB];
	_ =	sdelay $0x3  }
0x9a: {  	_ =	strace s19  }
0x9b: {  	s7 =	sld [smem:$0x3FFC];
	_ =	sdelay $0x3  }
0x9c: {  	_ =	strace s7  }
0x9d: {  	s7 =	sld [smem:$0x3FFD];
	_ =	sdelay $0x3  }
0x9e: {  	_ =	strace s7  }
0x9f: {  	_ =	strace $0x8FFFFFFF  }
0xa0: {  	s20 =	sld [smem:$0x3FDB];
	_ =	sdelay $0x1  }
0xa1: {  	s8 =	simm.s32 $_scs_section_size  }
0xa2: {  	s9 =	simm.s32 $_size__tile_overlayer_lowered;
	s10 =	simm.s32 $_tile_overlayer_lowered  }
0xa3: {  	s23 =	simm.s32 $0x1BFF;
	s22 =	sshll.u32 s10, $0x1;
	s7 =	sadd.s32 s8, s20  }
0xa4: {  	s11 =	simm.s32 $0x0;
	s21 =	sshll.u32 s9, $0x1;
	s9 =	sadd.s32 s22, s7  }
0xa5: {  	[timem:s11], [sflag:s23] =	dma.local [hbm:s9], s21  }
0xa6: {  	_ =	swait.ge [sflag:s23], s21  }
0xa7: {  	s8 =	ssub.s32 $0x0, s21;
	[sflag:s23] =	ssyncset.done $0x0  }
0xa8: {  	[sflag:s23] =	ssyncadd.s32 s8;
	_ =	sdelay $0x1  }
0xa9: {  	s24 =	simm.s32 $0x1B8B  }
0xaa: {  	_ =	swait.ge [sflag:s24], $0x1  }
0xab: {  	[sflag:s24] =	ssyncset.done $0x0  }
0xac: {  	s25 =	simm.s32 $0x1B8E;
	[sflag:s24] =	ssyncadd.s32 $0xFFFFFFFF  }
0xad: {  	s26 =	simm.s32 $execute0_lowered;
	[smem:$0x3FD2] =	sst s25  }
0xae: {  	s8 =	sshll.u32 s26, $0x1;
	_ =	strace $0x80000046;
	[dreg:$0x1] =	wrdreg $0xFFFFFFFF  }
0xaf: {  	s28 =	simm.s32 $_size_execute0_lowered;
	s7 =	sadd.s32 s7, s8;
	[dreg:$0x0] =	wrdreg $0x0  }
0xb0: {  	s8 =	sshll.u32 s28, $0x1;
	[dreg:$0x2] =	wrdreg s7  }
0xb1: {  	[dreg:$0x3] =	wrdreg s8  }
0xb2: {  	[dreg:$0x4] =	wrdreg $0xC0  }
0xb3: {  	_ =	task [dreg:s11], $0x5FFFF  }
0xb4: {  	[dreg:$0x1] =	wrdreg $0xFFFFFFFF  }
0xb5: {  	[dreg:$0x0] =	wrdreg $0x60  }
0xb6: {  	[dreg:$0x2] =	wrdreg s16  }
0xb7: {  	[dreg:$0x3] =	wrdreg s4  }
0xb8: {  	[dreg:$0x4] =	wrdreg s5  }
0xb9: {  	[dreg:$0x5] =	wrdreg s17  }
0xba: {  	[dreg:$0x6] =	wrdreg s18  }
0xbb: {  	[dreg:$0x7] =	wrdreg $0x186A00  }
0xbc: {  	[dreg:$0x8] =	wrdreg $0x9  }
0xbd: {  	_ =	task.clear_ibuf [dreg:s11], $0x9FFFF;
	_ =	strace $0x90000046  }
0xbe: {  	s29 =	simm.s32 $0x9;
	_ =	strace $0x80000048  }
0xbf: {  	_ =	swait.ge [sflag:s29], $0x1  }
0xc0: {  	[sflag:s29] =	ssyncadd.s32 $0xFFFFFFFF  }
0xc1: {  	_ =	strace $0x90000048  }
0xc2: {  	_ =	sfence  }
0xc3: {  	s30 =	sld [smem:$0x0];
	_ =	sdelay $0x2  }
0xc4: {  	s31 =	sshll.u32 s1, $0xD;
	s1 =	sshrl.u32 s1, $0x2  }
0xc5: {  	s3 =	sand.u32 $0x4000, s31;
	s1 =	sadd.s32 s1, s30  }
0xc6: {  	s0 =	sor.u32 s3, s0;
	s1 =	sshll.u32 s1, $0x11  }
0xc7: {  	s0 =	sor.u32 s1, s0  }
0xc8: {  	s0 =	sadd.s32 $0x8F2B, s0  }
0xc9: {  	[sflag:s0] =	ssyncadd.remote.s32 $0x1  }
0xca: {  	_ =	sfence.sel $0xFFFF  }
0xcb: {  	[dreg:$0x0] =	wrdreg $0xFFFFFFFF;
	(pc) =	sbr.abs _section_cstart, $3  }
0xcc: {  	[dreg:$0x1] =	wrdreg $0xFFFFFFFF  }
0xcd: {  	_ =	task.clear_ibuf [dreg:s11], $0x2FFFF;
	_ =	strace $0x9FFFFFFF  }
0xce: {  	(tm) =	ssettm $0x7FFFFFFF  }
0xcf: {  	_ =	shalt  }
tec
execute0_lowered:
.L_overlay_start_1:
0x0: {  	(tag) =	ssettag $0x1  }
0x1: {  	s13 =	rddreg [dreg:$0x0]  }
0x2: {  	s2 =	rddreg [dreg:$0x1]  }
0x3: {  	s3 =	rddreg [dreg:$0x2]  }
0x4: {  	s4 =	rddreg [dreg:$0x3]  }
0x5: {  	s5 =	rddreg [dreg:$0x4]  }
0x6: {  	s20 =	rddreg [dreg:$0x5];
	s0 =	srdreg.scid  }
0x7: {  	s1 =	stileid.u32;
	s7 =	simm.s32 $0x0;
	s30 =	simm.s32 $0x2  }
0x8: {  	s31 =	simm.s32 $0x3;
	s28 =	simm.s32 $0x7;
	s29 =	simm.s32 $0x1D158  }
0x9: {  	s0 =	sand.u32 $0x1, s0;
	s8 =	smul.u32 $0x186A0, s1;
	[smem:$0x7FF] =	sst s7  }
0xa: {  	s19 =	sadd.s32 $0x186A, s13;
	s21 =	sadd.s32 $0x30D4, s13;
	s25 =	sadd.s32 $0x493E, s13  }
0xb: {  	p1 =	sne.s32 s1, $0x0;
	_ =	strace $0x80000047;
	[dreg:$0xc] =	wrdreg s19  }
0xc: {  	s1 =	simm.s32 $0x4;
	[dreg:$0xd] =	wrdreg s21;
	s10 =	sshrl.u32 s8, $0x3  }
0xd: {  	s13 =	simm.s32 $0xB;
	[dreg:$0x13] =	wrdreg s25;
	s26 =	sadd.s32 $0xFA, s10  }
0xe: {  	s14 =	sadd.s32 s2, s10;
	s16 =	sadd.s32 $0x1F4, s10;
	s17 =	sadd.s32 $0x2EE, s10  }
0xf: {  	s12 =	sadd.s32 $0x3E8, s10;
	s10 =	sadd.s32 s3, s10;
	[dreg:$0x7] =	wrdreg s14  }
0x10: {  	s6 =	ssub.s32 $0x2, s0;
	s15 =	sadd.s32 s2, s26;
	[dreg:$0xe] =	wrdreg s10  }
0x11: {  	p0 =	seq.s32 s0, $0x1;
	s11 =	sadd.s32 s2, s16;
	[dreg:$0x8] =	wrdreg s15  }
0x12: {  	s25 =	simm.s32 $0x6;
	s14 =	sadd.s32 s2, s17;
	[dreg:$0x9] =	wrdreg s11  }
0x13: {  	s9 =	sshrl.u32 s6, $0x1;
	s18 =	sadd.s32 s2, s12;
	[dreg:$0xa] =	wrdreg s14  }
0x14: {  	s6 =	ssub.s32 s6, s9;
	s0 =	sadd.s32 s3, s26;
	[dreg:$0xb] =	wrdreg s18  }
0x15: {  	s9 =	simm.s32 $0x8;
	s22 =	sadd.s32 s3, s16;
	[dreg:$0xf] =	wrdreg s0  }
0x16: {  	s23 =	sadd.s32 s3, s17;
	s24 =	sadd.s32 s3, s12;
	[dreg:$0x10] =	wrdreg s22  }
.Ltmp0:
0x17: {  	s26 =	smax.u32 s6, $0x1;
	[dreg:$0x11] =	wrdreg s23;
	(pc) =	sbr.rel .LBB2_1-.Ltmp0, $4  }
0x18: {  	s10 =	simm.s32 $0x1D928;
	s12 =	simm.s32 $0xA;
	[dreg:$0x12] =	wrdreg s24  }
0x19: {  	s16 =	simm.s32 $0x0;
	[dreg:$0x14] =	wrdreg s26;
	s0 =	simm.s32 $0x1B9E8  }
0x1a: {  	s23 =	simm.s32 $0x5;
	s24 =	simm.s32 $0x1C1B8;
	s26 =	simm.s32 $0x1C988  }
0x1b: {  	s11 =	simm.s32 $0x9;
	s14 =	simm.s32 $0xC;
	s15 =	simm.s32 $0xD  }
.LBB2_26:
0x1c: {  	_ =	swait.ge [sflag:s11], $0x7D0  }
0x1d: {  	[sflag:s11] =	ssyncset.done $0x0  }
0x1e: {  	[sflag:s11] =	ssyncadd.s32 $0xFFFFF830  }
0x1f: {  	_ =	swait.ge [sflag:s12], $0x7D0  }
0x20: {  	[sflag:s12] =	ssyncset.done $0x0  }
0x21: {  	[sflag:s12] =	ssyncadd.s32 $0xFFFFF830  }
0x22: {  	_ =	swait.ge [sflag:s13], $0x7D0  }
0x23: {  	[sflag:s13] =	ssyncset.done $0x0  }
0x24: {  	[sflag:s13] =	ssyncadd.s32 $0xFFFFF830  }
0x25: {  	_ =	swait.ge [sflag:s14], $0x7D0  }
0x26: {  	[sflag:s14] =	ssyncset.done $0x0  }
0x27: {  	[sflag:s14] =	ssyncadd.s32 $0xFFFFF830  }
0x28: {  	_ =	swait.ge [sflag:s15], $0x7D0  }
0x29: {  	s16 =	sadd.s32 $0x1, s16;
	s6 =	rddreg [dreg:$0x14]  }
0x2a: {  	p2 =	sne.s32 s16, s6  }
.Ltmp1:
0x2b: {  	_ = 	snop;
	(pc) =	sbr.rel @!p2 .LBB2_27-.Ltmp1, $4  }
0x2c: {  	_ = 	snop  }
0x2d: {  	[sflag:s15] =	ssyncset.done $0x0  }
0x2e: {  	[sflag:s15] =	ssyncadd.s32 $0xFFFFF830  }
0x2f: {  	s20 =	rddreg [dreg:$0x5]  }
.LBB2_1:
.Ltmp2:
0x30: {  	(pc) =	sbr.rel @!p0 .LBB2_2-.Ltmp2, $2  }
0x31: {  	_ =	sdelay $0x2  }
0x32: {  	s6 =	sshrl.u32 @!p1 s20, $0x3  }
0x33: {  	s17 =	simm.s32 @!p1 $0x1C01;
	s18 =	rddreg [dreg:$0xd]  }
0x34: {  	[spmem:s6], [sflag:s17] =	dma.local @!p1 [hbm:s18], $0x186A  }
0x35: {  	s6 =	simm.s32 @!p1 $0x1  }
0x36: {  	_ =	swait.ge @!p1 [sflag:s6], $0x186A  }
0x37: {  	[sflag:s6] =	ssyncset.done @!p1 $0x0  }
0x38: {  	[sflag:s6] =	ssyncadd.s32 @!p1 $0xFFFFE796  }
0x39: {  	[bflag:$0x0] =	sbarrier.arrive $0xFFFF  }
0x3a: {  	s19 =	simm.s32 $0x0;
	s18 =	simm.s32 $0x192D8;
	s17 =	rddreg [dreg:$0xe]  }
0x3b: {  	[tilespmem:s18], [sflag:$0x4] =	stream.linear.gather [hbm4b:s17+s19], $0x7D0, $0x38;
	[tilespmem:$0x1E0F8] =	vst v63  }
0x3c: {  	s22 =	simm.s32 $0x19AA8;
	s21 =	rddreg [dreg:$0xf]  }
0x3d: {  	[tilespmem:s22], [sflag:$0x5] =	stream.linear.gather [hbm4b:s21+s19], $0x7D0, $0x38;
	[tilespmem:$0x1E0F8] =	vst v63  }
0x3e: {  	s17 =	rddreg [dreg:$0x10];
	s18 =	simm.s32 $0x1A278  }
0x3f: {  	[tilespmem:s18], [sflag:$0x6] =	stream.linear.gather [hbm4b:s17+s19], $0x7D0, $0x38;
	[tilespmem:$0x1E0F8] =	vst v63  }
0x40: {  	s21 =	rddreg [dreg:$0x11];
	s22 =	simm.s32 $0x1AA48  }
0x41: {  	[tilespmem:s22], [sflag:$0x7] =	stream.linear.gather [hbm4b:s21+s19], $0x7D0, $0x38;
	[tilespmem:$0x1E0F8] =	vst v63  }
0x42: {  	s17 =	rddreg [dreg:$0x12];
	s18 =	simm.s32 $0x1B218  }
0x43: {  	[tilespmem:s18], [sflag:$0x8] =	stream.linear.gather [hbm4b:s17+s19], $0x7D0, $0x38;
	[tilespmem:$0x1E0F8] =	vst v63  }
0x44: {  	_ = 	snop  }
0x45: {  	[tilespmem:s19], [sflag:$0x2] =	stream.linear.gather [spmem:s20], $0xC350, $0x38;
	[tilespmem:$0x1E0F8] =	vst v63  }
0x46: {  	s21 =	rddreg [dreg:$0x13];
	s22 =	simm.s32 $0xC350  }
0x47: {  	[tilespmem:s22], [sflag:$0x3] =	stream.linear.gather [hbm4b:s21+s19], $0xC350, $0x38;
	[tilespmem:$0x1E0F8] =	vst v63  }
0x48: {  	_ =	swait.ge [sflag:s30], $0xC350  }
0x49: {  	[sflag:s30] =	ssyncset.done $0x0  }
0x4a: {  	[sflag:s30] =	ssyncadd.s32 $0xFFFF3CB0  }
0x4b: {  	_ =	swait.ge [sflag:s31], $0xC350  }
0x4c: {  	[sflag:s31] =	ssyncset.done $0x0  }
0x4d: {  	[sflag:s31] =	ssyncadd.s32 $0xFFFF3CB0  }
.LBB2_15:
0x4e: {  	_ =	swait.ge [sflag:s1], $0x7D0  }
0x4f: {  	p2 =	seq.s32 s19, $0x0;
	[sflag:s1] =	ssyncset.done $0x0  }
0x50: {  	s6 =	simm.s32 @!p2 $0x9;
	[sflag:s1] =	ssyncadd.s32 $0xFFFFF830  }
0x51: {  	_ =	swait.ge @!p2 [sflag:s6], $0x7D0  }
0x52: {  	[sflag:s6] =	ssyncset.done @!p2 $0x0  }
0x53: {  	s21 =	simm.s32 $0x19398;
	[sflag:s6] =	ssyncadd.s32 @!p2 $0xFFFFF830  }
0x54: {  	v0 =	vld [tilespmem:s21+$0xC0]  }
0x55: {  	v1 =	vld [tilespmem:s21+$0xFFFFFF50]  }
0x56: {  	v2 =	vld [tilespmem:s21+$0xFFFFFF60]  }
0x57: {  	v3 =	vld [tilespmem:s21+$0xFFFFFF70]  }
0x58: {  	v4 =	vld [tilespmem:s21+$0xFFFFFF80]  }
0x59: {  	v5 =	vld [tilespmem:s21+$0xFFFFFF90]  }
0x5a: {  	v6 =	vld [tilespmem:s21+$0xFFFFFFA0]  }
0x5b: {  	v7 =	vld [tilespmem:s21+$0xFFFFFFB0]  }
0x5c: {  	v8 =	vld [tilespmem:s21+$0xFFFFFFC0]  }
0x5d: {  	v9 =	vld [tilespmem:s21+$0xFFFFFFD0]  }
0x5e: {  	v10 =	vld [tilespmem:s21+$0xFFFFFFE0]  }
0x5f: {  	v11 =	vld [tilespmem:s21+$0xFFFFFFF0]  }
0x60: {  	v12 =	vld [tilespmem:s21+$0x0]  }
0x61: {  	v13 =	vld [tilespmem:s21+$0x10]  }
0x62: {  	v14 =	vld [tilespmem:s21+$0x20]  }
0x63: {  	v15 =	vld [tilespmem:s21+$0x30]  }
0x64: {  	v16 =	vld [tilespmem:s21+$0x40]  }
0x65: {  	v17 =	vld [tilespmem:s21+$0x50]  }
0x66: {  	v18 =	vld [tilespmem:s21+$0x60]  }
0x67: {  	v19 =	vld [tilespmem:s21+$0x70]  }
0x68: {  	v20 =	vld [tilespmem:s21+$0x80]  }
0x69: {  	v21 =	vld [tilespmem:s21+$0x90]  }
0x6a: {  	v22 =	vld [tilespmem:s21+$0xA0]  }
0x6b: {  	v23 =	vld [tilespmem:s21+$0xB0]  }
0x6c: {  	v24 =	vld [tilespmem:s21+$0xFFFFFF40]  }
0x6d: {  	v0 =	vld.idx.msk [tilespmem:v0+s7+$0x0], $0xffff  }
0x6e: {  	v1 =	vld.idx.msk [tilespmem:v1+s7+$0x0], $0xffff  }
0x6f: {  	v2 =	vld.idx.msk [tilespmem:v2+s7+$0x0], $0xffff  }
0x70: {  	v3 =	vld.idx.msk [tilespmem:v3+s7+$0x0], $0xffff  }
0x71: {  	v4 =	vld.idx.msk [tilespmem:v4+s7+$0x0], $0xffff  }
0x72: {  	s18 =	simm.s32 $0x1BAA8;
	v5 =	vld.idx.msk [tilespmem:v5+s7+$0x0], $0xffff  }
0x73: {  	[tilespmem:s18+$0xC0] =	vst v0;
	v0 =	vld.idx.msk [tilespmem:v6+s7+$0x0], $0xffff  }
0x74: {  	[tilespmem:s18+$0xFFFFFF50] =	vst v1;
	v1 =	vld.idx.msk [tilespmem:v7+s7+$0x0], $0xffff  }
0x75: {  	v6 =	vld.idx.msk [tilespmem:v24+s7+$0x0], $0xffff;
	[tilespmem:s18+$0xFFFFFF60] =	vst v2  }
0x76: {  	[tilespmem:s18+$0xFFFFFF70] =	vst v3;
	v2 =	vld.idx.msk [tilespmem:v8+s7+$0x0], $0xffff  }
0x77: {  	[tilespmem:s18+$0xFFFFFF80] =	vst v4;
	v3 =	vld.idx.msk [tilespmem:v9+s7+$0x0], $0xffff  }
0x78: {  	[tilespmem:s18+$0xFFFFFF90] =	vst v5;
	v4 =	vld.idx.msk [tilespmem:v10+s7+$0x0], $0xffff  }
0x79: {  	v5 =	vld.idx.msk [tilespmem:v13+s7+$0x0], $0xffff;
	[tilespmem:s18+$0xFFFFFFA0] =	vst v0  }
0x7a: {  	v0 =	vld.idx.msk [tilespmem:v11+s7+$0x0], $0xffff;
	[tilespmem:s18+$0xFFFFFFB0] =	vst v1  }
0x7b: {  	v1 =	vld.idx.msk [tilespmem:v12+s7+$0x0], $0xffff;
	[tilespmem:s18+$0xFFFFFF40] =	vst v6  }
0x7c: {  	[tilespmem:s18+$0xFFFFFFC0] =	vst v2;
	v2 =	vld.idx.msk [tilespmem:v14+s7+$0x0], $0xffff  }
0x7d: {  	[tilespmem:s18+$0xFFFFFFD0] =	vst v3;
	v3 =	vld.idx.msk [tilespmem:v15+s7+$0x0], $0xffff  }
0x7e: {  	[tilespmem:s18+$0xFFFFFFE0] =	vst v4;
	v4 =	vld.idx.msk [tilespmem:v16+s7+$0x0], $0xffff  }
0x7f: {  	v6 =	vld.idx.msk [tilespmem:v17+s7+$0x0], $0xffff;
	[tilespmem:s18+$0x10] =	vst v5  }
0x80: {  	v5 =	vld.idx.msk [tilespmem:v23+s7+$0x0], $0xffff;
	[tilespmem:s18+$0xFFFFFFF0] =	vst v0  }
0x81: {  	[tilespmem:s18+$0x0] =	vst v1;
	v0 =	vld.idx.msk [tilespmem:v18+s7+$0x0], $0xffff  }
0x82: {  	v1 =	vld.idx.msk [tilespmem:v19+s7+$0x0], $0xffff;
	[tilespmem:s18+$0x20] =	vst v2  }
0x83: {  	s22 =	smul.u32 $0x2710, s19;
	v2 =	vld.idx.msk [tilespmem:v20+s7+$0x0], $0xffff;
	[tilespmem:s18+$0x30] =	vst v3  }
0x84: {  	v3 =	vld.idx.msk [tilespmem:v21+s7+$0x0], $0xffff;
	[tilespmem:s18+$0x40] =	vst v4  }
0x85: {  	s20 =	simm.s32 $0x19528;
	s17 =	sadd.s32 s8, s22;
	s6 =	simm.s32 $0x0;
	v4 =	vld.idx.msk [tilespmem:v22+s7+$0x0], $0xffff;
	[tilespmem:s18+$0x50] =	vst v6  }
.LBB2_16:
0x86: {  	v6 =	vld [tilespmem:s20+$0xC0];
	s6 =	sadd.s32 $0x19, s6;
	[tilespmem:s18+$0x60] =	vst v0  }
0x87: {  	v0 =	vld [tilespmem:s20+$0xFFFFFF50];
	p3 =	slt.u32 s6, $0x64;
	[tilespmem:s18+$0x70] =	vst v1  }
0x88: {  	v1 =	vld [tilespmem:s20+$0xFFFFFF60];
	[tilespmem:s18+$0x80] =	vst v2  }
0x89: {  	v2 =	vld [tilespmem:s20+$0xFFFFFF70];
	[tilespmem:s18+$0x90] =	vst v3  }
0x8a: {  	v3 =	vld [tilespmem:s20+$0xFFFFFF80];
	[tilespmem:s18+$0xA0] =	vst v4  }
0x8b: {  	v4 =	vld [tilespmem:s20+$0xFFFFFF90];
	[tilespmem:s18+$0xB0] =	vst v5  }
0x8c: {  	v5 =	vld [tilespmem:s20+$0xFFFFFFA0]  }
0x8d: {  	v7 =	vld [tilespmem:s20+$0xFFFFFFB0]  }
0x8e: {  	v6 =	vld.idx.msk [tilespmem:v6+s7+$0x0], $0xffff  }
0x8f: {  	v8 =	vld [tilespmem:s20+$0xFFFFFFC0]  }
0x90: {  	v9 =	vld [tilespmem:s20+$0xFFFFFFD0]  }
0x91: {  	v10 =	vld [tilespmem:s20+$0xFFFFFFE0]  }
0x92: {  	v11 =	vld [tilespmem:s20+$0xFFFFFFF0]  }
0x93: {  	s18 =	sadd.s32 $0x190, s18;
	v12 =	vld [tilespmem:s20+$0x0]  }
0x94: {  	v13 =	vld [tilespmem:s20+$0x10];
	[tilespmem:s18+$0xC0] =	vst v6  }
0x95: {  	v6 =	vld [tilespmem:s20+$0x20]  }
0x96: {  	v14 =	vld [tilespmem:s20+$0x30]  }
0x97: {  	v15 =	vld [tilespmem:s20+$0x40]  }
0x98: {  	v16 =	vld [tilespmem:s20+$0x50]  }
0x99: {  	v17 =	vld [tilespmem:s20+$0x60]  }
0x9a: {  	v18 =	vld [tilespmem:s20+$0x70]  }
0x9b: {  	v19 =	vld [tilespmem:s20+$0x80]  }
0x9c: {  	v20 =	vld [tilespmem:s20+$0x90]  }
0x9d: {  	v21 =	vld [tilespmem:s20+$0xA0]  }
0x9e: {  	v22 =	vld [tilespmem:s20+$0xB0]  }
0x9f: {  	v23 =	vld [tilespmem:s20+$0xFFFFFF40]  }
0xa0: {  	v0 =	vld.idx.msk [tilespmem:v0+s7+$0x0], $0xffff  }
0xa1: {  	v1 =	vld.idx.msk [tilespmem:v1+s7+$0x0], $0xffff  }
0xa2: {  	v2 =	vld.idx.msk [tilespmem:v2+s7+$0x0], $0xffff  }
0xa3: {  	v3 =	vld.idx.msk [tilespmem:v3+s7+$0x0], $0xffff  }
0xa4: {  	v4 =	vld.idx.msk [tilespmem:v4+s7+$0x0], $0xffff  }
0xa5: {  	v5 =	vld.idx.msk [tilespmem:v5+s7+$0x0], $0xffff  }
0xa6: {  	[tilespmem:s18+$0xFFFFFF50] =	vst v0;
	v0 =	vld.idx.msk [tilespmem:v7+s7+$0x0], $0xffff  }
0xa7: {  	v7 =	vld.idx.msk [tilespmem:v23+s7+$0x0], $0xffff;
	[tilespmem:s18+$0xFFFFFF60] =	vst v1  }
0xa8: {  	[tilespmem:s18+$0xFFFFFF70] =	vst v2;
	v1 =	vld.idx.msk [tilespmem:v8+s7+$0x0], $0xffff  }
0xa9: {  	[tilespmem:s18+$0xFFFFFF80] =	vst v3;
	v2 =	vld.idx.msk [tilespmem:v9+s7+$0x0], $0xffff  }
0xaa: {  	[tilespmem:s18+$0xFFFFFF90] =	vst v4;
	v3 =	vld.idx.msk [tilespmem:v10+s7+$0x0], $0xffff  }
0xab: {  	[tilespmem:s18+$0xFFFFFFA0] =	vst v5;
	v4 =	vld.idx.msk [tilespmem:v11+s7+$0x0], $0xffff  }
0xac: {  	[tilespmem:s18+$0xFFFFFFB0] =	vst v0;
	v0 =	vld.idx.msk [tilespmem:v12+s7+$0x0], $0xffff  }
0xad: {  	[tilespmem:s18+$0xFFFFFF40] =	vst v7;
	v5 =	vld.idx.msk [tilespmem:v13+s7+$0x0], $0xffff  }
0xae: {  	[tilespmem:s18+$0xFFFFFFC0] =	vst v1;
	v6 =	vld.idx.msk [tilespmem:v6+s7+$0x0], $0xffff  }
0xaf: {  	[tilespmem:s18+$0xFFFFFFD0] =	vst v2;
	v7 =	vld.idx.msk [tilespmem:v14+s7+$0x0], $0xffff  }
0xb0: {  	[tilespmem:s18+$0xFFFFFFE0] =	vst v3;
	v8 =	vld.idx.msk [tilespmem:v15+s7+$0x0], $0xffff  }
0xb1: {  	[tilespmem:s18+$0xFFFFFFF0] =	vst v4;
	v9 =	vld.idx.msk [tilespmem:v16+s7+$0x0], $0xffff  }
0xb2: {  	[tilespmem:s18+$0x0] =	vst v0;
	v0 =	vld.idx.msk [tilespmem:v17+s7+$0x0], $0xffff  }
.Ltmp3:
0xb3: {  	[tilespmem:s18+$0x10] =	vst v5;
	v1 =	vld.idx.msk [tilespmem:v18+s7+$0x0], $0xffff;
	(pc) =	sbr.rel @p3 .LBB2_16-.Ltmp3, $4  }
0xb4: {  	[tilespmem:s18+$0x20] =	vst v6;
	v2 =	vld.idx.msk [tilespmem:v19+s7+$0x0], $0xffff  }
0xb5: {  	[tilespmem:s18+$0x30] =	vst v7;
	v3 =	vld.idx.msk [tilespmem:v20+s7+$0x0], $0xffff  }
0xb6: {  	[tilespmem:s18+$0x40] =	vst v8;
	v4 =	vld.idx.msk [tilespmem:v21+s7+$0x0], $0xffff  }
0xb7: {  	s20 =	sadd.s32 $0x190, s20;
	[tilespmem:s18+$0x50] =	vst v9;
	v5 =	vld.idx.msk [tilespmem:v22+s7+$0x0], $0xffff  }
0xb8: {  	[tilespmem:s18+$0x60] =	vst v0  }
0xb9: {  	[tilespmem:s18+$0x70] =	vst v1  }
0xba: {  	[tilespmem:s18+$0x80] =	vst v2  }
0xbb: {  	[tilespmem:s18+$0x90] =	vst v3  }
0xbc: {  	s6 =	sshrl.u32 s17, $0x3;
	[tilespmem:s18+$0xA0] =	vst v4  }
0xbd: {  	p3 =	seq.s32 s19, $0x9;
	s6 =	sadd.s32 s5, s6;
	[tilespmem:s18+$0xB0] =	vst v5  }
0xbe: {  	[hbm4b:s6+s7] =	stream.linear.scatter [tilespmem:s0], [sflag:$0x9], $0x7D0, $0x38;
	[tilespmem:$0x1E0F8] =	vst v63  }
0xbf: {  	s6 =	sshrl.u32 @!p3 s17, $0x3  }
0xc0: {  	s18 =	sadd.s32 @!p3 s3, s6  }
0xc1: {  	s20 =	simm.s32 @!p3 $0x0;
	s21 =	simm.s32 @!p3 $0x192D8;
	s6 =	sadd.s32 @!p3 $0x4E2, s18  }
0xc2: {  	[tilespmem:s21], [sflag:$0x4] =	stream.linear.gather @!p3 [hbm4b:s6+s20], $0x7D0, $0x38;
	[tilespmem:$0x1E0F8] =	vst v63  }
0xc3: {  	_ =	swait.ge [sflag:s23], $0x7D0  }
0xc4: {  	[sflag:s23] =	ssyncset.done $0x0  }
0xc5: {  	s6 =	simm.s32 @!p2 $0xA;
	[sflag:s23] =	ssyncadd.s32 $0xFFFFF830  }
0xc6: {  	_ =	swait.ge @!p2 [sflag:s6], $0x7D0  }
0xc7: {  	[sflag:s6] =	ssyncset.done @!p2 $0x0  }
0xc8: {  	s22 =	simm.s32 $0x19B68;
	[sflag:s6] =	ssyncadd.s32 @!p2 $0xFFFFF830  }
0xc9: {  	v0 =	vld [tilespmem:s22+$0xC0]  }
0xca: {  	v1 =	vld [tilespmem:s22+$0xFFFFFF50]  }
0xcb: {  	v2 =	vld [tilespmem:s22+$0xFFFFFF60]  }
0xcc: {  	v3 =	vld [tilespmem:s22+$0xFFFFFF70]  }
0xcd: {  	v4 =	vld [tilespmem:s22+$0xFFFFFF80]  }
0xce: {  	v5 =	vld [tilespmem:s22+$0xFFFFFF90]  }
0xcf: {  	v6 =	vld [tilespmem:s22+$0xFFFFFFA0]  }
0xd0: {  	v7 =	vld [tilespmem:s22+$0xFFFFFFB0]  }
0xd1: {  	v8 =	vld [tilespmem:s22+$0xFFFFFFC0]  }
0xd2: {  	v9 =	vld [tilespmem:s22+$0xFFFFFFD0]  }
0xd3: {  	v10 =	vld [tilespmem:s22+$0xFFFFFFE0]  }
0xd4: {  	v11 =	vld [tilespmem:s22+$0xFFFFFFF0]  }
0xd5: {  	v12 =	vld [tilespmem:s22+$0x0]  }
0xd6: {  	v13 =	vld [tilespmem:s22+$0x10]  }
0xd7: {  	v14 =	vld [tilespmem:s22+$0x20]  }
0xd8: {  	v15 =	vld [tilespmem:s22+$0x30]  }
0xd9: {  	v16 =	vld [tilespmem:s22+$0x40]  }
0xda: {  	v17 =	vld [tilespmem:s22+$0x50]  }
0xdb: {  	v18 =	vld [tilespmem:s22+$0x60]  }
0xdc: {  	v19 =	vld [tilespmem:s22+$0x70]  }
0xdd: {  	v20 =	vld [tilespmem:s22+$0x80]  }
0xde: {  	v21 =	vld [tilespmem:s22+$0x90]  }
0xdf: {  	v22 =	vld [tilespmem:s22+$0xA0]  }
0xe0: {  	v23 =	vld [tilespmem:s22+$0xB0]  }
0xe1: {  	v24 =	vld [tilespmem:s22+$0xFFFFFF40]  }
0xe2: {  	v0 =	vld.idx.msk [tilespmem:v0+s7+$0x0], $0xffff  }
0xe3: {  	v1 =	vld.idx.msk [tilespmem:v1+s7+$0x0], $0xffff  }
0xe4: {  	v2 =	vld.idx.msk [tilespmem:v2+s7+$0x0], $0xffff  }
0xe5: {  	v3 =	vld.idx.msk [tilespmem:v3+s7+$0x0], $0xffff  }
0xe6: {  	v4 =	vld.idx.msk [tilespmem:v4+s7+$0x0], $0xffff  }
0xe7: {  	s20 =	simm.s32 $0x1C278;
	v5 =	vld.idx.msk [tilespmem:v5+s7+$0x0], $0xffff  }
0xe8: {  	[tilespmem:s20+$0xC0] =	vst v0;
	v0 =	vld.idx.msk [tilespmem:v6+s7+$0x0], $0xffff  }
0xe9: {  	[tilespmem:s20+$0xFFFFFF50] =	vst v1;
	v1 =	vld.idx.msk [tilespmem:v7+s7+$0x0], $0xffff  }
0xea: {  	v6 =	vld.idx.msk [tilespmem:v24+s7+$0x0], $0xffff;
	[tilespmem:s20+$0xFFFFFF60] =	vst v2  }
0xeb: {  	[tilespmem:s20+$0xFFFFFF70] =	vst v3;
	v2 =	vld.idx.msk [tilespmem:v8+s7+$0x0], $0xffff  }
0xec: {  	[tilespmem:s20+$0xFFFFFF80] =	vst v4;
	v3 =	vld.idx.msk [tilespmem:v9+s7+$0x0], $0xffff  }
0xed: {  	[tilespmem:s20+$0xFFFFFF90] =	vst v5;
	v4 =	vld.idx.msk [tilespmem:v10+s7+$0x0], $0xffff  }
0xee: {  	v5 =	vld.idx.msk [tilespmem:v13+s7+$0x0], $0xffff;
	[tilespmem:s20+$0xFFFFFFA0] =	vst v0  }
0xef: {  	v0 =	vld.idx.msk [tilespmem:v11+s7+$0x0], $0xffff;
	[tilespmem:s20+$0xFFFFFFB0] =	vst v1  }
0xf0: {  	v1 =	vld.idx.msk [tilespmem:v12+s7+$0x0], $0xffff;
	[tilespmem:s20+$0xFFFFFF40] =	vst v6  }
0xf1: {  	[tilespmem:s20+$0xFFFFFFC0] =	vst v2;
	v2 =	vld.idx.msk [tilespmem:v14+s7+$0x0], $0xffff  }
0xf2: {  	[tilespmem:s20+$0xFFFFFFD0] =	vst v3;
	v3 =	vld.idx.msk [tilespmem:v15+s7+$0x0], $0xffff  }
0xf3: {  	[tilespmem:s20+$0xFFFFFFE0] =	vst v4;
	v4 =	vld.idx.msk [tilespmem:v16+s7+$0x0], $0xffff  }
0xf4: {  	v6 =	vld.idx.msk [tilespmem:v17+s7+$0x0], $0xffff;
	[tilespmem:s20+$0x10] =	vst v5  }
0xf5: {  	v5 =	vld.idx.msk [tilespmem:v23+s7+$0x0], $0xffff;
	[tilespmem:s20+$0xFFFFFFF0] =	vst v0  }
0xf6: {  	[tilespmem:s20+$0x0] =	vst v1;
	v0 =	vld.idx.msk [tilespmem:v18+s7+$0x0], $0xffff  }
0xf7: {  	v1 =	vld.idx.msk [tilespmem:v19+s7+$0x0], $0xffff;
	[tilespmem:s20+$0x20] =	vst v2  }
0xf8: {  	v2 =	vld.idx.msk [tilespmem:v20+s7+$0x0], $0xffff;
	[tilespmem:s20+$0x30] =	vst v3  }
0xf9: {  	s19 =	sadd.s32 $0x1, s19;
	v3 =	vld.idx.msk [tilespmem:v21+s7+$0x0], $0xffff;
	[tilespmem:s20+$0x40] =	vst v4  }
0xfa: {  	s21 =	sadd.s32 $0x7D0, s17;
	s6 =	simm.s32 $0x0;
	s22 =	simm.s32 $0x19CF8;
	v4 =	vld.idx.msk [tilespmem:v22+s7+$0x0], $0xffff;
	[tilespmem:s20+$0x50] =	vst v6  }
.LBB2_18:
0xfb: {  	v6 =	vld [tilespmem:s22+$0xC0];
	s6 =	sadd.s32 $0x19, s6;
	[tilespmem:s20+$0x60] =	vst v0  }
0xfc: {  	v0 =	vld [tilespmem:s22+$0xFFFFFF50];
	p4 =	slt.u32 s6, $0x64;
	[tilespmem:s20+$0x70] =	vst v1  }
0xfd: {  	v1 =	vld [tilespmem:s22+$0xFFFFFF60];
	[tilespmem:s20+$0x80] =	vst v2  }
0xfe: {  	v2 =	vld [tilespmem:s22+$0xFFFFFF70];
	[tilespmem:s20+$0x90] =	vst v3  }
0xff: {  	v3 =	vld [tilespmem:s22+$0xFFFFFF80];
	[tilespmem:s20+$0xA0] =	vst v4  }
0x100: {  	v4 =	vld [tilespmem:s22+$0xFFFFFF90];
	[tilespmem:s20+$0xB0] =	vst v5  }
0x101: {  	v5 =	vld [tilespmem:s22+$0xFFFFFFA0]  }
0x102: {  	v7 =	vld [tilespmem:s22+$0xFFFFFFB0]  }
0x103: {  	v6 =	vld.idx.msk [tilespmem:v6+s7+$0x0], $0xffff  }
0x104: {  	v8 =	vld [tilespmem:s22+$0xFFFFFFC0]  }
0x105: {  	v9 =	vld [tilespmem:s22+$0xFFFFFFD0]  }
0x106: {  	v10 =	vld [tilespmem:s22+$0xFFFFFFE0]  }
0x107: {  	v11 =	vld [tilespmem:s22+$0xFFFFFFF0]  }
0x108: {  	s20 =	sadd.s32 $0x190, s20;
	v12 =	vld [tilespmem:s22+$0x0]  }
0x109: {  	v13 =	vld [tilespmem:s22+$0x10];
	[tilespmem:s20+$0xC0] =	vst v6  }
0x10a: {  	v6 =	vld [tilespmem:s22+$0x20]  }
0x10b: {  	v14 =	vld [tilespmem:s22+$0x30]  }
0x10c: {  	v15 =	vld [tilespmem:s22+$0x40]  }
0x10d: {  	v16 =	vld [tilespmem:s22+$0x50]  }
0x10e: {  	v17 =	vld [tilespmem:s22+$0x60]  }
0x10f: {  	v18 =	vld [tilespmem:s22+$0x70]  }
0x110: {  	v19 =	vld [tilespmem:s22+$0x80]  }
0x111: {  	v20 =	vld [tilespmem:s22+$0x90]  }
0x112: {  	v21 =	vld [tilespmem:s22+$0xA0]  }
0x113: {  	v22 =	vld [tilespmem:s22+$0xB0]  }
0x114: {  	v23 =	vld [tilespmem:s22+$0xFFFFFF40]  }
0x115: {  	v0 =	vld.idx.msk [tilespmem:v0+s7+$0x0], $0xffff  }
0x116: {  	v1 =	vld.idx.msk [tilespmem:v1+s7+$0x0], $0xffff  }
0x117: {  	v2 =	vld.idx.msk [tilespmem:v2+s7+$0x0], $0xffff  }
0x118: {  	v3 =	vld.idx.msk [tilespmem:v3+s7+$0x0], $0xffff  }
0x119: {  	v4 =	vld.idx.msk [tilespmem:v4+s7+$0x0], $0xffff  }
0x11a: {  	v5 =	vld.idx.msk [tilespmem:v5+s7+$0x0], $0xffff  }
0x11b: {  	[tilespmem:s20+$0xFFFFFF50] =	vst v0;
	v0 =	vld.idx.msk [tilespmem:v7+s7+$0x0], $0xffff  }
0x11c: {  	v7 =	vld.idx.msk [tilespmem:v23+s7+$0x0], $0xffff;
	[tilespmem:s20+$0xFFFFFF60] =	vst v1  }
0x11d: {  	[tilespmem:s20+$0xFFFFFF70] =	vst v2;
	v1 =	vld.idx.msk [tilespmem:v8+s7+$0x0], $0xffff  }
0x11e: {  	[tilespmem:s20+$0xFFFFFF80] =	vst v3;
	v2 =	vld.idx.msk [tilespmem:v9+s7+$0x0], $0xffff  }
0x11f: {  	[tilespmem:s20+$0xFFFFFF90] =	vst v4;
	v3 =	vld.idx.msk [tilespmem:v10+s7+$0x0], $0xffff  }
0x120: {  	[tilespmem:s20+$0xFFFFFFA0] =	vst v5;
	v4 =	vld.idx.msk [tilespmem:v11+s7+$0x0], $0xffff  }
0x121: {  	[tilespmem:s20+$0xFFFFFFB0] =	vst v0;
	v0 =	vld.idx.msk [tilespmem:v12+s7+$0x0], $0xffff  }
0x122: {  	[tilespmem:s20+$0xFFFFFF40] =	vst v7;
	v5 =	vld.idx.msk [tilespmem:v13+s7+$0x0], $0xffff  }
0x123: {  	[tilespmem:s20+$0xFFFFFFC0] =	vst v1;
	v6 =	vld.idx.msk [tilespmem:v6+s7+$0x0], $0xffff  }
0x124: {  	[tilespmem:s20+$0xFFFFFFD0] =	vst v2;
	v7 =	vld.idx.msk [tilespmem:v14+s7+$0x0], $0xffff  }
0x125: {  	[tilespmem:s20+$0xFFFFFFE0] =	vst v3;
	v8 =	vld.idx.msk [tilespmem:v15+s7+$0x0], $0xffff  }
0x126: {  	[tilespmem:s20+$0xFFFFFFF0] =	vst v4;
	v9 =	vld.idx.msk [tilespmem:v16+s7+$0x0], $0xffff  }
0x127: {  	[tilespmem:s20+$0x0] =	vst v0;
	v0 =	vld.idx.msk [tilespmem:v17+s7+$0x0], $0xffff  }
.Ltmp4:
0x128: {  	[tilespmem:s20+$0x10] =	vst v5;
	v1 =	vld.idx.msk [tilespmem:v18+s7+$0x0], $0xffff;
	(pc) =	sbr.rel @p4 .LBB2_18-.Ltmp4, $4  }
0x129: {  	[tilespmem:s20+$0x20] =	vst v6;
	v2 =	vld.idx.msk [tilespmem:v19+s7+$0x0], $0xffff  }
0x12a: {  	[tilespmem:s20+$0x30] =	vst v7;
	v3 =	vld.idx.msk [tilespmem:v20+s7+$0x0], $0xffff  }
0x12b: {  	[tilespmem:s20+$0x40] =	vst v8;
	v4 =	vld.idx.msk [tilespmem:v21+s7+$0x0], $0xffff  }
0x12c: {  	s22 =	sadd.s32 $0x190, s22;
	[tilespmem:s20+$0x50] =	vst v9;
	v5 =	vld.idx.msk [tilespmem:v22+s7+$0x0], $0xffff  }
0x12d: {  	[tilespmem:s20+$0x60] =	vst v0  }
0x12e: {  	[tilespmem:s20+$0x70] =	vst v1  }
0x12f: {  	[tilespmem:s20+$0x80] =	vst v2  }
0x130: {  	[tilespmem:s20+$0x90] =	vst v3  }
0x131: {  	s6 =	sshrl.u32 s21, $0x3;
	[tilespmem:s20+$0xA0] =	vst v4  }
0x132: {  	s6 =	sadd.s32 s5, s6;
	[tilespmem:s20+$0xB0] =	vst v5  }
0x133: {  	[hbm4b:s6+s7] =	stream.linear.scatter [tilespmem:s24], [sflag:$0xA], $0x7D0, $0x38;
	[tilespmem:$0x1E0F8] =	vst v63  }
0x134: {  	s21 =	simm.s32 @!p3 $0x19AA8;
	s20 =	simm.s32 @!p3 $0x0;
	s6 =	sadd.s32 @!p3 $0x5DC, s18  }
0x135: {  	[tilespmem:s21], [sflag:$0x5] =	stream.linear.gather @!p3 [hbm4b:s6+s20], $0x7D0, $0x38;
	[tilespmem:$0x1E0F8] =	vst v63  }
0x136: {  	_ =	swait.ge [sflag:s25], $0x7D0  }
0x137: {  	[sflag:s25] =	ssyncset.done $0x0  }
0x138: {  	s6 =	simm.s32 @!p2 $0xB;
	[sflag:s25] =	ssyncadd.s32 $0xFFFFF830  }
0x139: {  	_ =	swait.ge @!p2 [sflag:s6], $0x7D0  }
0x13a: {  	[sflag:s6] =	ssyncset.done @!p2 $0x0  }
0x13b: {  	s22 =	simm.s32 $0x1A338;
	[sflag:s6] =	ssyncadd.s32 @!p2 $0xFFFFF830  }
0x13c: {  	v0 =	vld [tilespmem:s22+$0xC0]  }
0x13d: {  	v1 =	vld [tilespmem:s22+$0xFFFFFF50]  }
0x13e: {  	v2 =	vld [tilespmem:s22+$0xFFFFFF60]  }
0x13f: {  	v3 =	vld [tilespmem:s22+$0xFFFFFF70]  }
0x140: {  	v4 =	vld [tilespmem:s22+$0xFFFFFF80]  }
0x141: {  	v5 =	vld [tilespmem:s22+$0xFFFFFF90]  }
0x142: {  	v6 =	vld [tilespmem:s22+$0xFFFFFFA0]  }
0x143: {  	v7 =	vld [tilespmem:s22+$0xFFFFFFB0]  }
0x144: {  	v8 =	vld [tilespmem:s22+$0xFFFFFFC0]  }
0x145: {  	v9 =	vld [tilespmem:s22+$0xFFFFFFD0]  }
0x146: {  	v10 =	vld [tilespmem:s22+$0xFFFFFFE0]  }
0x147: {  	v11 =	vld [tilespmem:s22+$0xFFFFFFF0]  }
0x148: {  	v12 =	vld [tilespmem:s22+$0x0]  }
0x149: {  	v13 =	vld [tilespmem:s22+$0x10]  }
0x14a: {  	v14 =	vld [tilespmem:s22+$0x20]  }
0x14b: {  	v15 =	vld [tilespmem:s22+$0x30]  }
0x14c: {  	v16 =	vld [tilespmem:s22+$0x40]  }
0x14d: {  	v17 =	vld [tilespmem:s22+$0x50]  }
0x14e: {  	v18 =	vld [tilespmem:s22+$0x60]  }
0x14f: {  	v19 =	vld [tilespmem:s22+$0x70]  }
0x150: {  	v20 =	vld [tilespmem:s22+$0x80]  }
0x151: {  	v21 =	vld [tilespmem:s22+$0x90]  }
0x152: {  	v22 =	vld [tilespmem:s22+$0xA0]  }
0x153: {  	v23 =	vld [tilespmem:s22+$0xB0]  }
0x154: {  	v24 =	vld [tilespmem:s22+$0xFFFFFF40]  }
0x155: {  	v0 =	vld.idx.msk [tilespmem:v0+s7+$0x0], $0xffff  }
0x156: {  	v1 =	vld.idx.msk [tilespmem:v1+s7+$0x0], $0xffff  }
0x157: {  	v2 =	vld.idx.msk [tilespmem:v2+s7+$0x0], $0xffff  }
0x158: {  	v3 =	vld.idx.msk [tilespmem:v3+s7+$0x0], $0xffff  }
0x159: {  	v4 =	vld.idx.msk [tilespmem:v4+s7+$0x0], $0xffff  }
0x15a: {  	s20 =	simm.s32 $0x1CA48;
	v5 =	vld.idx.msk [tilespmem:v5+s7+$0x0], $0xffff  }
0x15b: {  	[tilespmem:s20+$0xC0] =	vst v0;
	v0 =	vld.idx.msk [tilespmem:v6+s7+$0x0], $0xffff  }
0x15c: {  	[tilespmem:s20+$0xFFFFFF50] =	vst v1;
	v1 =	vld.idx.msk [tilespmem:v7+s7+$0x0], $0xffff  }
0x15d: {  	v6 =	vld.idx.msk [tilespmem:v24+s7+$0x0], $0xffff;
	[tilespmem:s20+$0xFFFFFF60] =	vst v2  }
0x15e: {  	[tilespmem:s20+$0xFFFFFF70] =	vst v3;
	v2 =	vld.idx.msk [tilespmem:v8+s7+$0x0], $0xffff  }
0x15f: {  	[tilespmem:s20+$0xFFFFFF80] =	vst v4;
	v3 =	vld.idx.msk [tilespmem:v9+s7+$0x0], $0xffff  }
0x160: {  	[tilespmem:s20+$0xFFFFFF90] =	vst v5;
	v4 =	vld.idx.msk [tilespmem:v10+s7+$0x0], $0xffff  }
0x161: {  	v5 =	vld.idx.msk [tilespmem:v13+s7+$0x0], $0xffff;
	[tilespmem:s20+$0xFFFFFFA0] =	vst v0  }
0x162: {  	v0 =	vld.idx.msk [tilespmem:v11+s7+$0x0], $0xffff;
	[tilespmem:s20+$0xFFFFFFB0] =	vst v1  }
0x163: {  	v1 =	vld.idx.msk [tilespmem:v12+s7+$0x0], $0xffff;
	[tilespmem:s20+$0xFFFFFF40] =	vst v6  }
0x164: {  	[tilespmem:s20+$0xFFFFFFC0] =	vst v2;
	v2 =	vld.idx.msk [tilespmem:v14+s7+$0x0], $0xffff  }
0x165: {  	[tilespmem:s20+$0xFFFFFFD0] =	vst v3;
	v3 =	vld.idx.msk [tilespmem:v15+s7+$0x0], $0xffff  }
0x166: {  	[tilespmem:s20+$0xFFFFFFE0] =	vst v4;
	v4 =	vld.idx.msk [tilespmem:v16+s7+$0x0], $0xffff  }
0x167: {  	v6 =	vld.idx.msk [tilespmem:v17+s7+$0x0], $0xffff;
	[tilespmem:s20+$0x10] =	vst v5  }
0x168: {  	v5 =	vld.idx.msk [tilespmem:v23+s7+$0x0], $0xffff;
	[tilespmem:s20+$0xFFFFFFF0] =	vst v0  }
0x169: {  	[tilespmem:s20+$0x0] =	vst v1;
	v0 =	vld.idx.msk [tilespmem:v18+s7+$0x0], $0xffff  }
0x16a: {  	v1 =	vld.idx.msk [tilespmem:v19+s7+$0x0], $0xffff;
	[tilespmem:s20+$0x20] =	vst v2  }
0x16b: {  	v2 =	vld.idx.msk [tilespmem:v20+s7+$0x0], $0xffff;
	[tilespmem:s20+$0x30] =	vst v3  }
0x16c: {  	v3 =	vld.idx.msk [tilespmem:v21+s7+$0x0], $0xffff;
	[tilespmem:s20+$0x40] =	vst v4  }
0x16d: {  	s21 =	sadd.s32 $0xFA0, s17;
	s6 =	simm.s32 $0x0;
	s22 =	simm.s32 $0x1A4C8;
	v4 =	vld.idx.msk [tilespmem:v22+s7+$0x0], $0xffff;
	[tilespmem:s20+$0x50] =	vst v6  }
.LBB2_20:
0x16e: {  	v6 =	vld [tilespmem:s22+$0xC0];
	s6 =	sadd.s32 $0x19, s6;
	[tilespmem:s20+$0x60] =	vst v0  }
0x16f: {  	v0 =	vld [tilespmem:s22+$0xFFFFFF50];
	p4 =	slt.u32 s6, $0x64;
	[tilespmem:s20+$0x70] =	vst v1  }
0x170: {  	v1 =	vld [tilespmem:s22+$0xFFFFFF60];
	[tilespmem:s20+$0x80] =	vst v2  }
0x171: {  	v2 =	vld [tilespmem:s22+$0xFFFFFF70];
	[tilespmem:s20+$0x90] =	vst v3  }
0x172: {  	v3 =	vld [tilespmem:s22+$0xFFFFFF80];
	[tilespmem:s20+$0xA0] =	vst v4  }
0x173: {  	v4 =	vld [tilespmem:s22+$0xFFFFFF90];
	[tilespmem:s20+$0xB0] =	vst v5  }
0x174: {  	v5 =	vld [tilespmem:s22+$0xFFFFFFA0]  }
0x175: {  	v7 =	vld [tilespmem:s22+$0xFFFFFFB0]  }
0x176: {  	v6 =	vld.idx.msk [tilespmem:v6+s7+$0x0], $0xffff  }
0x177: {  	v8 =	vld [tilespmem:s22+$0xFFFFFFC0]  }
0x178: {  	v9 =	vld [tilespmem:s22+$0xFFFFFFD0]  }
0x179: {  	v10 =	vld [tilespmem:s22+$0xFFFFFFE0]  }
0x17a: {  	v11 =	vld [tilespmem:s22+$0xFFFFFFF0]  }
0x17b: {  	s20 =	sadd.s32 $0x190, s20;
	v12 =	vld [tilespmem:s22+$0x0]  }
0x17c: {  	v13 =	vld [tilespmem:s22+$0x10];
	[tilespmem:s20+$0xC0] =	vst v6  }
0x17d: {  	v6 =	vld [tilespmem:s22+$0x20]  }
0x17e: {  	v14 =	vld [tilespmem:s22+$0x30]  }
0x17f: {  	v15 =	vld [tilespmem:s22+$0x40]  }
0x180: {  	v16 =	vld [tilespmem:s22+$0x50]  }
0x181: {  	v17 =	vld [tilespmem:s22+$0x60]  }
0x182: {  	v18 =	vld [tilespmem:s22+$0x70]  }
0x183: {  	v19 =	vld [tilespmem:s22+$0x80]  }
0x184: {  	v20 =	vld [tilespmem:s22+$0x90]  }
0x185: {  	v21 =	vld [tilespmem:s22+$0xA0]  }
0x186: {  	v22 =	vld [tilespmem:s22+$0xB0]  }
0x187: {  	v23 =	vld [tilespmem:s22+$0xFFFFFF40]  }
0x188: {  	v0 =	vld.idx.msk [tilespmem:v0+s7+$0x0], $0xffff  }
0x189: {  	v1 =	vld.idx.msk [tilespmem:v1+s7+$0x0], $0xffff  }
0x18a: {  	v2 =	vld.idx.msk [tilespmem:v2+s7+$0x0], $0xffff  }
0x18b: {  	v3 =	vld.idx.msk [tilespmem:v3+s7+$0x0], $0xffff  }
0x18c: {  	v4 =	vld.idx.msk [tilespmem:v4+s7+$0x0], $0xffff  }
0x18d: {  	v5 =	vld.idx.msk [tilespmem:v5+s7+$0x0], $0xffff  }
0x18e: {  	[tilespmem:s20+$0xFFFFFF50] =	vst v0;
	v0 =	vld.idx.msk [tilespmem:v7+s7+$0x0], $0xffff  }
0x18f: {  	v7 =	vld.idx.msk [tilespmem:v23+s7+$0x0], $0xffff;
	[tilespmem:s20+$0xFFFFFF60] =	vst v1  }
0x190: {  	[tilespmem:s20+$0xFFFFFF70] =	vst v2;
	v1 =	vld.idx.msk [tilespmem:v8+s7+$0x0], $0xffff  }
0x191: {  	[tilespmem:s20+$0xFFFFFF80] =	vst v3;
	v2 =	vld.idx.msk [tilespmem:v9+s7+$0x0], $0xffff  }
0x192: {  	[tilespmem:s20+$0xFFFFFF90] =	vst v4;
	v3 =	vld.idx.msk [tilespmem:v10+s7+$0x0], $0xffff  }
0x193: {  	[tilespmem:s20+$0xFFFFFFA0] =	vst v5;
	v4 =	vld.idx.msk [tilespmem:v11+s7+$0x0], $0xffff  }
0x194: {  	[tilespmem:s20+$0xFFFFFFB0] =	vst v0;
	v0 =	vld.idx.msk [tilespmem:v12+s7+$0x0], $0xffff  }
0x195: {  	[tilespmem:s20+$0xFFFFFF40] =	vst v7;
	v5 =	vld.idx.msk [tilespmem:v13+s7+$0x0], $0xffff  }
0x196: {  	[tilespmem:s20+$0xFFFFFFC0] =	vst v1;
	v6 =	vld.idx.msk [tilespmem:v6+s7+$0x0], $0xffff  }
0x197: {  	[tilespmem:s20+$0xFFFFFFD0] =	vst v2;
	v7 =	vld.idx.msk [tilespmem:v14+s7+$0x0], $0xffff  }
0x198: {  	[tilespmem:s20+$0xFFFFFFE0] =	vst v3;
	v8 =	vld.idx.msk [tilespmem:v15+s7+$0x0], $0xffff  }
0x199: {  	[tilespmem:s20+$0xFFFFFFF0] =	vst v4;
	v9 =	vld.idx.msk [tilespmem:v16+s7+$0x0], $0xffff  }
0x19a: {  	[tilespmem:s20+$0x0] =	vst v0;
	v0 =	vld.idx.msk [tilespmem:v17+s7+$0x0], $0xffff  }
.Ltmp5:
0x19b: {  	[tilespmem:s20+$0x10] =	vst v5;
	v1 =	vld.idx.msk [tilespmem:v18+s7+$0x0], $0xffff;
	(pc) =	sbr.rel @p4 .LBB2_20-.Ltmp5, $4  }
0x19c: {  	[tilespmem:s20+$0x20] =	vst v6;
	v2 =	vld.idx.msk [tilespmem:v19+s7+$0x0], $0xffff  }
0x19d: {  	[tilespmem:s20+$0x30] =	vst v7;
	v3 =	vld.idx.msk [tilespmem:v20+s7+$0x0], $0xffff  }
0x19e: {  	[tilespmem:s20+$0x40] =	vst v8;
	v4 =	vld.idx.msk [tilespmem:v21+s7+$0x0], $0xffff  }
0x19f: {  	s22 =	sadd.s32 $0x190, s22;
	[tilespmem:s20+$0x50] =	vst v9;
	v5 =	vld.idx.msk [tilespmem:v22+s7+$0x0], $0xffff  }
0x1a0: {  	[tilespmem:s20+$0x60] =	vst v0  }
0x1a1: {  	[tilespmem:s20+$0x70] =	vst v1  }
0x1a2: {  	[tilespmem:s20+$0x80] =	vst v2  }
0x1a3: {  	[tilespmem:s20+$0x90] =	vst v3  }
0x1a4: {  	s6 =	sshrl.u32 s21, $0x3;
	[tilespmem:s20+$0xA0] =	vst v4  }
0x1a5: {  	s6 =	sadd.s32 s5, s6;
	[tilespmem:s20+$0xB0] =	vst v5  }
0x1a6: {  	[hbm4b:s6+s7] =	stream.linear.scatter [tilespmem:s26], [sflag:$0xB], $0x7D0, $0x38;
	[tilespmem:$0x1E0F8] =	vst v63  }
0x1a7: {  	s21 =	simm.s32 @!p3 $0x1A278;
	s20 =	simm.s32 @!p3 $0x0;
	s6 =	sadd.s32 @!p3 $0x6D6, s18  }
0x1a8: {  	[tilespmem:s21], [sflag:$0x6] =	stream.linear.gather @!p3 [hbm4b:s6+s20], $0x7D0, $0x38;
	[tilespmem:$0x1E0F8] =	vst v63  }
0x1a9: {  	_ =	swait.ge [sflag:s28], $0x7D0  }
0x1aa: {  	[sflag:s28] =	ssyncset.done $0x0  }
0x1ab: {  	s6 =	simm.s32 @!p2 $0xC;
	[sflag:s28] =	ssyncadd.s32 $0xFFFFF830  }
0x1ac: {  	_ =	swait.ge @!p2 [sflag:s6], $0x7D0  }
0x1ad: {  	[sflag:s6] =	ssyncset.done @!p2 $0x0  }
0x1ae: {  	s22 =	simm.s32 $0x1AB08;
	[sflag:s6] =	ssyncadd.s32 @!p2 $0xFFFFF830  }
0x1af: {  	v0 =	vld [tilespmem:s22+$0xC0]  }
0x1b0: {  	v1 =	vld [tilespmem:s22+$0xFFFFFF50]  }
0x1b1: {  	v2 =	vld [tilespmem:s22+$0xFFFFFF60]  }
0x1b2: {  	v3 =	vld [tilespmem:s22+$0xFFFFFF70]  }
0x1b3: {  	v4 =	vld [tilespmem:s22+$0xFFFFFF80]  }
0x1b4: {  	v5 =	vld [tilespmem:s22+$0xFFFFFF90]  }
0x1b5: {  	v6 =	vld [tilespmem:s22+$0xFFFFFFA0]  }
0x1b6: {  	v7 =	vld [tilespmem:s22+$0xFFFFFFB0]  }
0x1b7: {  	v8 =	vld [tilespmem:s22+$0xFFFFFFC0]  }
0x1b8: {  	v9 =	vld [tilespmem:s22+$0xFFFFFFD0]  }
0x1b9: {  	v10 =	vld [tilespmem:s22+$0xFFFFFFE0]  }
0x1ba: {  	v11 =	vld [tilespmem:s22+$0xFFFFFFF0]  }
0x1bb: {  	v12 =	vld [tilespmem:s22+$0x0]  }
0x1bc: {  	v13 =	vld [tilespmem:s22+$0x10]  }
0x1bd: {  	v14 =	vld [tilespmem:s22+$0x20]  }
0x1be: {  	v15 =	vld [tilespmem:s22+$0x30]  }
0x1bf: {  	v16 =	vld [tilespmem:s22+$0x40]  }
0x1c0: {  	v17 =	vld [tilespmem:s22+$0x50]  }
0x1c1: {  	v18 =	vld [tilespmem:s22+$0x60]  }
0x1c2: {  	v19 =	vld [tilespmem:s22+$0x70]  }
0x1c3: {  	v20 =	vld [tilespmem:s22+$0x80]  }
0x1c4: {  	v21 =	vld [tilespmem:s22+$0x90]  }
0x1c5: {  	v22 =	vld [tilespmem:s22+$0xA0]  }
0x1c6: {  	v23 =	vld [tilespmem:s22+$0xB0]  }
0x1c7: {  	v24 =	vld [tilespmem:s22+$0xFFFFFF40]  }
0x1c8: {  	v0 =	vld.idx.msk [tilespmem:v0+s7+$0x0], $0xffff  }
0x1c9: {  	v1 =	vld.idx.msk [tilespmem:v1+s7+$0x0], $0xffff  }
0x1ca: {  	v2 =	vld.idx.msk [tilespmem:v2+s7+$0x0], $0xffff  }
0x1cb: {  	v3 =	vld.idx.msk [tilespmem:v3+s7+$0x0], $0xffff  }
0x1cc: {  	v4 =	vld.idx.msk [tilespmem:v4+s7+$0x0], $0xffff  }
0x1cd: {  	s20 =	simm.s32 $0x1D218;
	v5 =	vld.idx.msk [tilespmem:v5+s7+$0x0], $0xffff  }
0x1ce: {  	[tilespmem:s20+$0xC0] =	vst v0;
	v0 =	vld.idx.msk [tilespmem:v6+s7+$0x0], $0xffff  }
0x1cf: {  	[tilespmem:s20+$0xFFFFFF50] =	vst v1;
	v1 =	vld.idx.msk [tilespmem:v7+s7+$0x0], $0xffff  }
0x1d0: {  	v6 =	vld.idx.msk [tilespmem:v24+s7+$0x0], $0xffff;
	[tilespmem:s20+$0xFFFFFF60] =	vst v2  }
0x1d1: {  	[tilespmem:s20+$0xFFFFFF70] =	vst v3;
	v2 =	vld.idx.msk [tilespmem:v8+s7+$0x0], $0xffff  }
0x1d2: {  	[tilespmem:s20+$0xFFFFFF80] =	vst v4;
	v3 =	vld.idx.msk [tilespmem:v9+s7+$0x0], $0xffff  }
0x1d3: {  	[tilespmem:s20+$0xFFFFFF90] =	vst v5;
	v4 =	vld.idx.msk [tilespmem:v10+s7+$0x0], $0xffff  }
0x1d4: {  	v5 =	vld.idx.msk [tilespmem:v13+s7+$0x0], $0xffff;
	[tilespmem:s20+$0xFFFFFFA0] =	vst v0  }
0x1d5: {  	v0 =	vld.idx.msk [tilespmem:v11+s7+$0x0], $0xffff;
	[tilespmem:s20+$0xFFFFFFB0] =	vst v1  }
0x1d6: {  	v1 =	vld.idx.msk [tilespmem:v12+s7+$0x0], $0xffff;
	[tilespmem:s20+$0xFFFFFF40] =	vst v6  }
0x1d7: {  	[tilespmem:s20+$0xFFFFFFC0] =	vst v2;
	v2 =	vld.idx.msk [tilespmem:v14+s7+$0x0], $0xffff  }
0x1d8: {  	[tilespmem:s20+$0xFFFFFFD0] =	vst v3;
	v3 =	vld.idx.msk [tilespmem:v15+s7+$0x0], $0xffff  }
0x1d9: {  	[tilespmem:s20+$0xFFFFFFE0] =	vst v4;
	v4 =	vld.idx.msk [tilespmem:v16+s7+$0x0], $0xffff  }
0x1da: {  	v6 =	vld.idx.msk [tilespmem:v17+s7+$0x0], $0xffff;
	[tilespmem:s20+$0x10] =	vst v5  }
0x1db: {  	v5 =	vld.idx.msk [tilespmem:v23+s7+$0x0], $0xffff;
	[tilespmem:s20+$0xFFFFFFF0] =	vst v0  }
0x1dc: {  	[tilespmem:s20+$0x0] =	vst v1;
	v0 =	vld.idx.msk [tilespmem:v18+s7+$0x0], $0xffff  }
0x1dd: {  	v1 =	vld.idx.msk [tilespmem:v19+s7+$0x0], $0xffff;
	[tilespmem:s20+$0x20] =	vst v2  }
0x1de: {  	v2 =	vld.idx.msk [tilespmem:v20+s7+$0x0], $0xffff;
	[tilespmem:s20+$0x30] =	vst v3  }
0x1df: {  	v3 =	vld.idx.msk [tilespmem:v21+s7+$0x0], $0xffff;
	[tilespmem:s20+$0x40] =	vst v4  }
0x1e0: {  	s21 =	sadd.s32 $0x1770, s17;
	s6 =	simm.s32 $0x0;
	s22 =	simm.s32 $0x1AC98;
	v4 =	vld.idx.msk [tilespmem:v22+s7+$0x0], $0xffff;
	[tilespmem:s20+$0x50] =	vst v6  }
.LBB2_22:
0x1e1: {  	v6 =	vld [tilespmem:s22+$0xC0];
	s6 =	sadd.s32 $0x19, s6;
	[tilespmem:s20+$0x60] =	vst v0  }
0x1e2: {  	v0 =	vld [tilespmem:s22+$0xFFFFFF50];
	p4 =	slt.u32 s6, $0x64;
	[tilespmem:s20+$0x70] =	vst v1  }
0x1e3: {  	v1 =	vld [tilespmem:s22+$0xFFFFFF60];
	[tilespmem:s20+$0x80] =	vst v2  }
0x1e4: {  	v2 =	vld [tilespmem:s22+$0xFFFFFF70];
	[tilespmem:s20+$0x90] =	vst v3  }
0x1e5: {  	v3 =	vld [tilespmem:s22+$0xFFFFFF80];
	[tilespmem:s20+$0xA0] =	vst v4  }
0x1e6: {  	v4 =	vld [tilespmem:s22+$0xFFFFFF90];
	[tilespmem:s20+$0xB0] =	vst v5  }
0x1e7: {  	v5 =	vld [tilespmem:s22+$0xFFFFFFA0]  }
0x1e8: {  	v7 =	vld [tilespmem:s22+$0xFFFFFFB0]  }
0x1e9: {  	v6 =	vld.idx.msk [tilespmem:v6+s7+$0x0], $0xffff  }
0x1ea: {  	v8 =	vld [tilespmem:s22+$0xFFFFFFC0]  }
0x1eb: {  	v9 =	vld [tilespmem:s22+$0xFFFFFFD0]  }
0x1ec: {  	v10 =	vld [tilespmem:s22+$0xFFFFFFE0]  }
0x1ed: {  	v11 =	vld [tilespmem:s22+$0xFFFFFFF0]  }
0x1ee: {  	s20 =	sadd.s32 $0x190, s20;
	v12 =	vld [tilespmem:s22+$0x0]  }
0x1ef: {  	v13 =	vld [tilespmem:s22+$0x10];
	[tilespmem:s20+$0xC0] =	vst v6  }
0x1f0: {  	v6 =	vld [tilespmem:s22+$0x20]  }
0x1f1: {  	v14 =	vld [tilespmem:s22+$0x30]  }
0x1f2: {  	v15 =	vld [tilespmem:s22+$0x40]  }
0x1f3: {  	v16 =	vld [tilespmem:s22+$0x50]  }
0x1f4: {  	v17 =	vld [tilespmem:s22+$0x60]  }
0x1f5: {  	v18 =	vld [tilespmem:s22+$0x70]  }
0x1f6: {  	v19 =	vld [tilespmem:s22+$0x80]  }
0x1f7: {  	v20 =	vld [tilespmem:s22+$0x90]  }
0x1f8: {  	v21 =	vld [tilespmem:s22+$0xA0]  }
0x1f9: {  	v22 =	vld [tilespmem:s22+$0xB0]  }
0x1fa: {  	v23 =	vld [tilespmem:s22+$0xFFFFFF40]  }
0x1fb: {  	v0 =	vld.idx.msk [tilespmem:v0+s7+$0x0], $0xffff  }
0x1fc: {  	v1 =	vld.idx.msk [tilespmem:v1+s7+$0x0], $0xffff  }
0x1fd: {  	v2 =	vld.idx.msk [tilespmem:v2+s7+$0x0], $0xffff  }
0x1fe: {  	v3 =	vld.idx.msk [tilespmem:v3+s7+$0x0], $0xffff  }
0x1ff: {  	v4 =	vld.idx.msk [tilespmem:v4+s7+$0x0], $0xffff  }
0x200: {  	v5 =	vld.idx.msk [tilespmem:v5+s7+$0x0], $0xffff  }
0x201: {  	[tilespmem:s20+$0xFFFFFF50] =	vst v0;
	v0 =	vld.idx.msk [tilespmem:v7+s7+$0x0], $0xffff  }
0x202: {  	v7 =	vld.idx.msk [tilespmem:v23+s7+$0x0], $0xffff;
	[tilespmem:s20+$0xFFFFFF60] =	vst v1  }
0x203: {  	[tilespmem:s20+$0xFFFFFF70] =	vst v2;
	v1 =	vld.idx.msk [tilespmem:v8+s7+$0x0], $0xffff  }
0x204: {  	[tilespmem:s20+$0xFFFFFF80] =	vst v3;
	v2 =	vld.idx.msk [tilespmem:v9+s7+$0x0], $0xffff  }
0x205: {  	[tilespmem:s20+$0xFFFFFF90] =	vst v4;
	v3 =	vld.idx.msk [tilespmem:v10+s7+$0x0], $0xffff  }
0x206: {  	[tilespmem:s20+$0xFFFFFFA0] =	vst v5;
	v4 =	vld.idx.msk [tilespmem:v11+s7+$0x0], $0xffff  }
0x207: {  	[tilespmem:s20+$0xFFFFFFB0] =	vst v0;
	v0 =	vld.idx.msk [tilespmem:v12+s7+$0x0], $0xffff  }
0x208: {  	[tilespmem:s20+$0xFFFFFF40] =	vst v7;
	v5 =	vld.idx.msk [tilespmem:v13+s7+$0x0], $0xffff  }
0x209: {  	[tilespmem:s20+$0xFFFFFFC0] =	vst v1;
	v6 =	vld.idx.msk [tilespmem:v6+s7+$0x0], $0xffff  }
0x20a: {  	[tilespmem:s20+$0xFFFFFFD0] =	vst v2;
	v7 =	vld.idx.msk [tilespmem:v14+s7+$0x0], $0xffff  }
0x20b: {  	[tilespmem:s20+$0xFFFFFFE0] =	vst v3;
	v8 =	vld.idx.msk [tilespmem:v15+s7+$0x0], $0xffff  }
0x20c: {  	[tilespmem:s20+$0xFFFFFFF0] =	vst v4;
	v9 =	vld.idx.msk [tilespmem:v16+s7+$0x0], $0xffff  }
0x20d: {  	[tilespmem:s20+$0x0] =	vst v0;
	v0 =	vld.idx.msk [tilespmem:v17+s7+$0x0], $0xffff  }
.Ltmp6:
0x20e: {  	[tilespmem:s20+$0x10] =	vst v5;
	v1 =	vld.idx.msk [tilespmem:v18+s7+$0x0], $0xffff;
	(pc) =	sbr.rel @p4 .LBB2_22-.Ltmp6, $4  }
0x20f: {  	[tilespmem:s20+$0x20] =	vst v6;
	v2 =	vld.idx.msk [tilespmem:v19+s7+$0x0], $0xffff  }
0x210: {  	[tilespmem:s20+$0x30] =	vst v7;
	v3 =	vld.idx.msk [tilespmem:v20+s7+$0x0], $0xffff  }
0x211: {  	[tilespmem:s20+$0x40] =	vst v8;
	v4 =	vld.idx.msk [tilespmem:v21+s7+$0x0], $0xffff  }
0x212: {  	s22 =	sadd.s32 $0x190, s22;
	[tilespmem:s20+$0x50] =	vst v9;
	v5 =	vld.idx.msk [tilespmem:v22+s7+$0x0], $0xffff  }
0x213: {  	[tilespmem:s20+$0x60] =	vst v0  }
0x214: {  	[tilespmem:s20+$0x70] =	vst v1  }
0x215: {  	[tilespmem:s20+$0x80] =	vst v2  }
0x216: {  	[tilespmem:s20+$0x90] =	vst v3  }
0x217: {  	s6 =	sshrl.u32 s21, $0x3;
	[tilespmem:s20+$0xA0] =	vst v4  }
0x218: {  	s6 =	sadd.s32 s5, s6;
	[tilespmem:s20+$0xB0] =	vst v5  }
0x219: {  	[hbm4b:s6+s7] =	stream.linear.scatter [tilespmem:s29], [sflag:$0xC], $0x7D0, $0x38;
	[tilespmem:$0x1E0F8] =	vst v63  }
0x21a: {  	s21 =	simm.s32 @!p3 $0x1AA48;
	s20 =	simm.s32 @!p3 $0x0;
	s6 =	sadd.s32 @!p3 $0x7D0, s18  }
0x21b: {  	[tilespmem:s21], [sflag:$0x7] =	stream.linear.gather @!p3 [hbm4b:s6+s20], $0x7D0, $0x38;
	[tilespmem:$0x1E0F8] =	vst v63  }
0x21c: {  	_ =	swait.ge [sflag:s9], $0x7D0  }
0x21d: {  	[sflag:s9] =	ssyncset.done $0x0  }
0x21e: {  	s6 =	simm.s32 @!p2 $0xD;
	[sflag:s9] =	ssyncadd.s32 $0xFFFFF830  }
0x21f: {  	_ =	swait.ge @!p2 [sflag:s6], $0x7D0  }
0x220: {  	[sflag:s6] =	ssyncset.done @!p2 $0x0  }
0x221: {  	s22 =	simm.s32 $0x1B2D8;
	[sflag:s6] =	ssyncadd.s32 @!p2 $0xFFFFF830  }
0x222: {  	v0 =	vld [tilespmem:s22+$0xC0]  }
0x223: {  	v1 =	vld [tilespmem:s22+$0xFFFFFF50]  }
0x224: {  	v2 =	vld [tilespmem:s22+$0xFFFFFF60]  }
0x225: {  	v3 =	vld [tilespmem:s22+$0xFFFFFF70]  }
0x226: {  	v4 =	vld [tilespmem:s22+$0xFFFFFF80]  }
0x227: {  	v5 =	vld [tilespmem:s22+$0xFFFFFF90]  }
0x228: {  	v6 =	vld [tilespmem:s22+$0xFFFFFFA0]  }
0x229: {  	v7 =	vld [tilespmem:s22+$0xFFFFFFB0]  }
0x22a: {  	v8 =	vld [tilespmem:s22+$0xFFFFFFC0]  }
0x22b: {  	v9 =	vld [tilespmem:s22+$0xFFFFFFD0]  }
0x22c: {  	v10 =	vld [tilespmem:s22+$0xFFFFFFE0]  }
0x22d: {  	v11 =	vld [tilespmem:s22+$0xFFFFFFF0]  }
0x22e: {  	v12 =	vld [tilespmem:s22+$0x0]  }
0x22f: {  	v13 =	vld [tilespmem:s22+$0x10]  }
0x230: {  	v14 =	vld [tilespmem:s22+$0x20]  }
0x231: {  	v15 =	vld [tilespmem:s22+$0x30]  }
0x232: {  	v16 =	vld [tilespmem:s22+$0x40]  }
0x233: {  	v17 =	vld [tilespmem:s22+$0x50]  }
0x234: {  	v18 =	vld [tilespmem:s22+$0x60]  }
0x235: {  	v19 =	vld [tilespmem:s22+$0x70]  }
0x236: {  	v20 =	vld [tilespmem:s22+$0x80]  }
0x237: {  	v21 =	vld [tilespmem:s22+$0x90]  }
0x238: {  	v22 =	vld [tilespmem:s22+$0xA0]  }
0x239: {  	v23 =	vld [tilespmem:s22+$0xB0]  }
0x23a: {  	v24 =	vld [tilespmem:s22+$0xFFFFFF40]  }
0x23b: {  	v0 =	vld.idx.msk [tilespmem:v0+s7+$0x0], $0xffff  }
0x23c: {  	v1 =	vld.idx.msk [tilespmem:v1+s7+$0x0], $0xffff  }
0x23d: {  	v2 =	vld.idx.msk [tilespmem:v2+s7+$0x0], $0xffff  }
0x23e: {  	v3 =	vld.idx.msk [tilespmem:v3+s7+$0x0], $0xffff  }
0x23f: {  	v4 =	vld.idx.msk [tilespmem:v4+s7+$0x0], $0xffff  }
0x240: {  	s20 =	simm.s32 $0x1D9E8;
	v5 =	vld.idx.msk [tilespmem:v5+s7+$0x0], $0xffff  }
0x241: {  	[tilespmem:s20+$0xC0] =	vst v0;
	v0 =	vld.idx.msk [tilespmem:v6+s7+$0x0], $0xffff  }
0x242: {  	[tilespmem:s20+$0xFFFFFF50] =	vst v1;
	v1 =	vld.idx.msk [tilespmem:v7+s7+$0x0], $0xffff  }
0x243: {  	v6 =	vld.idx.msk [tilespmem:v24+s7+$0x0], $0xffff;
	[tilespmem:s20+$0xFFFFFF60] =	vst v2  }
0x244: {  	[tilespmem:s20+$0xFFFFFF70] =	vst v3;
	v2 =	vld.idx.msk [tilespmem:v8+s7+$0x0], $0xffff  }
0x245: {  	[tilespmem:s20+$0xFFFFFF80] =	vst v4;
	v3 =	vld.idx.msk [tilespmem:v9+s7+$0x0], $0xffff  }
0x246: {  	[tilespmem:s20+$0xFFFFFF90] =	vst v5;
	v4 =	vld.idx.msk [tilespmem:v10+s7+$0x0], $0xffff  }
0x247: {  	v5 =	vld.idx.msk [tilespmem:v13+s7+$0x0], $0xffff;
	[tilespmem:s20+$0xFFFFFFA0] =	vst v0  }
0x248: {  	v0 =	vld.idx.msk [tilespmem:v11+s7+$0x0], $0xffff;
	[tilespmem:s20+$0xFFFFFFB0] =	vst v1  }
0x249: {  	v1 =	vld.idx.msk [tilespmem:v12+s7+$0x0], $0xffff;
	[tilespmem:s20+$0xFFFFFF40] =	vst v6  }
0x24a: {  	[tilespmem:s20+$0xFFFFFFC0] =	vst v2;
	v2 =	vld.idx.msk [tilespmem:v14+s7+$0x0], $0xffff  }
0x24b: {  	[tilespmem:s20+$0xFFFFFFD0] =	vst v3;
	v3 =	vld.idx.msk [tilespmem:v15+s7+$0x0], $0xffff  }
0x24c: {  	[tilespmem:s20+$0xFFFFFFE0] =	vst v4;
	v4 =	vld.idx.msk [tilespmem:v16+s7+$0x0], $0xffff  }
0x24d: {  	v6 =	vld.idx.msk [tilespmem:v17+s7+$0x0], $0xffff;
	[tilespmem:s20+$0x10] =	vst v5  }
0x24e: {  	v5 =	vld.idx.msk [tilespmem:v23+s7+$0x0], $0xffff;
	[tilespmem:s20+$0xFFFFFFF0] =	vst v0  }
0x24f: {  	[tilespmem:s20+$0x0] =	vst v1;
	v0 =	vld.idx.msk [tilespmem:v18+s7+$0x0], $0xffff  }
0x250: {  	v1 =	vld.idx.msk [tilespmem:v19+s7+$0x0], $0xffff;
	[tilespmem:s20+$0x20] =	vst v2  }
0x251: {  	v2 =	vld.idx.msk [tilespmem:v20+s7+$0x0], $0xffff;
	[tilespmem:s20+$0x30] =	vst v3  }
0x252: {  	v3 =	vld.idx.msk [tilespmem:v21+s7+$0x0], $0xffff;
	[tilespmem:s20+$0x40] =	vst v4  }
0x253: {  	s17 =	sadd.s32 $0x1F40, s17;
	s21 =	simm.s32 $0x1B468;
	s6 =	simm.s32 $0x0;
	v4 =	vld.idx.msk [tilespmem:v22+s7+$0x0], $0xffff;
	[tilespmem:s20+$0x50] =	vst v6  }
.LBB2_24:
0x254: {  	v6 =	vld [tilespmem:s21+$0xC0];
	s6 =	sadd.s32 $0x19, s6;
	[tilespmem:s20+$0x60] =	vst v0  }
0x255: {  	v0 =	vld [tilespmem:s21+$0xFFFFFF50];
	p2 =	slt.u32 s6, $0x64;
	[tilespmem:s20+$0x70] =	vst v1  }
0x256: {  	v1 =	vld [tilespmem:s21+$0xFFFFFF60];
	[tilespmem:s20+$0x80] =	vst v2  }
0x257: {  	v2 =	vld [tilespmem:s21+$0xFFFFFF70];
	[tilespmem:s20+$0x90] =	vst v3  }
0x258: {  	v3 =	vld [tilespmem:s21+$0xFFFFFF80];
	[tilespmem:s20+$0xA0] =	vst v4  }
0x259: {  	v4 =	vld [tilespmem:s21+$0xFFFFFF90];
	[tilespmem:s20+$0xB0] =	vst v5  }
0x25a: {  	v5 =	vld [tilespmem:s21+$0xFFFFFFA0]  }
0x25b: {  	v7 =	vld [tilespmem:s21+$0xFFFFFFB0]  }
0x25c: {  	v6 =	vld.idx.msk [tilespmem:v6+s7+$0x0], $0xffff  }
0x25d: {  	v8 =	vld [tilespmem:s21+$0xFFFFFFC0]  }
0x25e: {  	v9 =	vld [tilespmem:s21+$0xFFFFFFD0]  }
0x25f: {  	v10 =	vld [tilespmem:s21+$0xFFFFFFE0]  }
0x260: {  	v11 =	vld [tilespmem:s21+$0xFFFFFFF0]  }
0x261: {  	s20 =	sadd.s32 $0x190, s20;
	v12 =	vld [tilespmem:s21+$0x0]  }
0x262: {  	v13 =	vld [tilespmem:s21+$0x10];
	[tilespmem:s20+$0xC0] =	vst v6  }
0x263: {  	v6 =	vld [tilespmem:s21+$0x20]  }
0x264: {  	v14 =	vld [tilespmem:s21+$0x30]  }
0x265: {  	v15 =	vld [tilespmem:s21+$0x40]  }
0x266: {  	v16 =	vld [tilespmem:s21+$0x50]  }
0x267: {  	v17 =	vld [tilespmem:s21+$0x60]  }
0x268: {  	v18 =	vld [tilespmem:s21+$0x70]  }
0x269: {  	v19 =	vld [tilespmem:s21+$0x80]  }
0x26a: {  	v20 =	vld [tilespmem:s21+$0x90]  }
0x26b: {  	v21 =	vld [tilespmem:s21+$0xA0]  }
0x26c: {  	v22 =	vld [tilespmem:s21+$0xB0]  }
0x26d: {  	v23 =	vld [tilespmem:s21+$0xFFFFFF40]  }
0x26e: {  	v0 =	vld.idx.msk [tilespmem:v0+s7+$0x0], $0xffff  }
0x26f: {  	v1 =	vld.idx.msk [tilespmem:v1+s7+$0x0], $0xffff  }
0x270: {  	v2 =	vld.idx.msk [tilespmem:v2+s7+$0x0], $0xffff  }
0x271: {  	v3 =	vld.idx.msk [tilespmem:v3+s7+$0x0], $0xffff  }
0x272: {  	v4 =	vld.idx.msk [tilespmem:v4+s7+$0x0], $0xffff  }
0x273: {  	v5 =	vld.idx.msk [tilespmem:v5+s7+$0x0], $0xffff  }
0x274: {  	[tilespmem:s20+$0xFFFFFF50] =	vst v0;
	v0 =	vld.idx.msk [tilespmem:v7+s7+$0x0], $0xffff  }
0x275: {  	v7 =	vld.idx.msk [tilespmem:v23+s7+$0x0], $0xffff;
	[tilespmem:s20+$0xFFFFFF60] =	vst v1  }
0x276: {  	[tilespmem:s20+$0xFFFFFF70] =	vst v2;
	v1 =	vld.idx.msk [tilespmem:v8+s7+$0x0], $0xffff  }
0x277: {  	[tilespmem:s20+$0xFFFFFF80] =	vst v3;
	v2 =	vld.idx.msk [tilespmem:v9+s7+$0x0], $0xffff  }
0x278: {  	[tilespmem:s20+$0xFFFFFF90] =	vst v4;
	v3 =	vld.idx.msk [tilespmem:v10+s7+$0x0], $0xffff  }
0x279: {  	[tilespmem:s20+$0xFFFFFFA0] =	vst v5;
	v4 =	vld.idx.msk [tilespmem:v11+s7+$0x0], $0xffff  }
0x27a: {  	[tilespmem:s20+$0xFFFFFFB0] =	vst v0;
	v0 =	vld.idx.msk [tilespmem:v12+s7+$0x0], $0xffff  }
0x27b: {  	[tilespmem:s20+$0xFFFFFF40] =	vst v7;
	v5 =	vld.idx.msk [tilespmem:v13+s7+$0x0], $0xffff  }
0x27c: {  	[tilespmem:s20+$0xFFFFFFC0] =	vst v1;
	v6 =	vld.idx.msk [tilespmem:v6+s7+$0x0], $0xffff  }
0x27d: {  	[tilespmem:s20+$0xFFFFFFD0] =	vst v2;
	v7 =	vld.idx.msk [tilespmem:v14+s7+$0x0], $0xffff  }
0x27e: {  	[tilespmem:s20+$0xFFFFFFE0] =	vst v3;
	v8 =	vld.idx.msk [tilespmem:v15+s7+$0x0], $0xffff  }
0x27f: {  	[tilespmem:s20+$0xFFFFFFF0] =	vst v4;
	v9 =	vld.idx.msk [tilespmem:v16+s7+$0x0], $0xffff  }
0x280: {  	[tilespmem:s20+$0x0] =	vst v0;
	v0 =	vld.idx.msk [tilespmem:v17+s7+$0x0], $0xffff  }
.Ltmp7:
0x281: {  	[tilespmem:s20+$0x10] =	vst v5;
	v1 =	vld.idx.msk [tilespmem:v18+s7+$0x0], $0xffff;
	(pc) =	sbr.rel @p2 .LBB2_24-.Ltmp7, $4  }
0x282: {  	[tilespmem:s20+$0x20] =	vst v6;
	v2 =	vld.idx.msk [tilespmem:v19+s7+$0x0], $0xffff  }
0x283: {  	[tilespmem:s20+$0x30] =	vst v7;
	v3 =	vld.idx.msk [tilespmem:v20+s7+$0x0], $0xffff  }
0x284: {  	[tilespmem:s20+$0x40] =	vst v8;
	v4 =	vld.idx.msk [tilespmem:v21+s7+$0x0], $0xffff  }
0x285: {  	s21 =	sadd.s32 $0x190, s21;
	[tilespmem:s20+$0x50] =	vst v9;
	v5 =	vld.idx.msk [tilespmem:v22+s7+$0x0], $0xffff  }
0x286: {  	[tilespmem:s20+$0x60] =	vst v0  }
0x287: {  	[tilespmem:s20+$0x70] =	vst v1  }
0x288: {  	p2 =	sne.s32 @!p3 s19, $0xA;
	[tilespmem:s20+$0x80] =	vst v2  }
0x289: {  	p2 =	por p3, !p2;
	[tilespmem:s20+$0x90] =	vst v3  }
.Ltmp8:
0x28a: {  	s6 =	sshrl.u32 s17, $0x3;
	[tilespmem:s20+$0xA0] =	vst v4;
	(pc) =	sbr.rel @!p2 .LBB2_15-.Ltmp8, $4  }
.Ltmp9:
0x28b: {  	s6 =	sadd.s32 s5, s6;
	[tilespmem:s20+$0xB0] =	vst v5;
	(pc) =	sbr.rel @p2 .LBB2_26-.Ltmp9, $4  }
0x28c: {  	[hbm4b:s6+s7] =	stream.linear.scatter [tilespmem:s10], [sflag:$0xD], $0x7D0, $0x38;
	[tilespmem:$0x1E0F8] =	vst v63  }
0x28d: {  	s17 =	simm.s32 @!p3 $0x0;
	s6 =	sadd.s32 @!p3 $0x8CA, s18;
	s18 =	simm.s32 @!p3 $0x1B218  }
0x28e: {  	[tilespmem:s18], [sflag:$0x8] =	stream.linear.gather @!p3 [hbm4b:s6+s17], $0x7D0, $0x38;
	[tilespmem:$0x1E0F8] =	vst v63  }
0x28f: {  	_ = 	snop  }
.LBB2_2:
0x290: {  	s17 =	simm.s32 @!p1 $0x1C01;
	s18 =	rddreg [dreg:$0x0]  }
0x291: {  	[spmem:s6], [sflag:s17] =	dma.local @!p1 [hbm:s18], $0x186A  }
0x292: {  	s6 =	simm.s32 @!p1 $0x1  }
0x293: {  	_ =	swait.ge @!p1 [sflag:s6], $0x186A  }
0x294: {  	[sflag:s6] =	ssyncset.done @!p1 $0x0  }
0x295: {  	[sflag:s6] =	ssyncadd.s32 @!p1 $0xFFFFE796  }
0x296: {  	[bflag:$0x0] =	sbarrier.arrive $0xFFFF  }
0x297: {  	s19 =	simm.s32 $0x0;
	s18 =	simm.s32 $0x192D8;
	s17 =	rddreg [dreg:$0x7]  }
0x298: {  	[tilespmem:s18], [sflag:$0x4] =	stream.linear.gather [hbm4b:s17+s19], $0x7D0, $0x38;
	[tilespmem:$0x1E0F8] =	vst v63  }
0x299: {  	s22 =	simm.s32 $0x19AA8;
	s21 =	rddreg [dreg:$0x8]  }
0x29a: {  	[tilespmem:s22], [sflag:$0x5] =	stream.linear.gather [hbm4b:s21+s19], $0x7D0, $0x38;
	[tilespmem:$0x1E0F8] =	vst v63  }
0x29b: {  	s17 =	rddreg [dreg:$0x9];
	s18 =	simm.s32 $0x1A278  }
0x29c: {  	[tilespmem:s18], [sflag:$0x6] =	stream.linear.gather [hbm4b:s17+s19], $0x7D0, $0x38;
	[tilespmem:$0x1E0F8] =	vst v63  }
0x29d: {  	s21 =	rddreg [dreg:$0xa];
	s22 =	simm.s32 $0x1AA48  }
0x29e: {  	[tilespmem:s22], [sflag:$0x7] =	stream.linear.gather [hbm4b:s21+s19], $0x7D0, $0x38;
	[tilespmem:$0x1E0F8] =	vst v63  }
0x29f: {  	s17 =	rddreg [dreg:$0xb];
	s18 =	simm.s32 $0x1B218  }
0x2a0: {  	[tilespmem:s18], [sflag:$0x8] =	stream.linear.gather [hbm4b:s17+s19], $0x7D0, $0x38;
	[tilespmem:$0x1E0F8] =	vst v63  }
0x2a1: {  	_ = 	snop  }
0x2a2: {  	[tilespmem:s19], [sflag:$0x2] =	stream.linear.gather [spmem:s20], $0xC350, $0x38;
	[tilespmem:$0x1E0F8] =	vst v63  }
0x2a3: {  	s21 =	rddreg [dreg:$0xc];
	s22 =	simm.s32 $0xC350  }
0x2a4: {  	[tilespmem:s22], [sflag:$0x3] =	stream.linear.gather [hbm4b:s21+s19], $0xC350, $0x38;
	[tilespmem:$0x1E0F8] =	vst v63  }
0x2a5: {  	_ =	swait.ge [sflag:s30], $0xC350  }
0x2a6: {  	[sflag:s30] =	ssyncset.done $0x0  }
0x2a7: {  	[sflag:s30] =	ssyncadd.s32 $0xFFFF3CB0  }
0x2a8: {  	_ =	swait.ge [sflag:s31], $0xC350  }
0x2a9: {  	[sflag:s31] =	ssyncset.done $0x0  }
0x2aa: {  	[sflag:s31] =	ssyncadd.s32 $0xFFFF3CB0  }
.LBB2_3:
0x2ab: {  	_ =	swait.ge [sflag:s1], $0x7D0  }
0x2ac: {  	p2 =	seq.s32 s19, $0x0;
	[sflag:s1] =	ssyncset.done $0x0  }
0x2ad: {  	s6 =	simm.s32 @!p2 $0x9;
	[sflag:s1] =	ssyncadd.s32 $0xFFFFF830  }
0x2ae: {  	_ =	swait.ge @!p2 [sflag:s6], $0x7D0  }
0x2af: {  	[sflag:s6] =	ssyncset.done @!p2 $0x0  }
0x2b0: {  	s21 =	simm.s32 $0x19398;
	[sflag:s6] =	ssyncadd.s32 @!p2 $0xFFFFF830  }
0x2b1: {  	v0 =	vld [tilespmem:s21+$0xC0]  }
0x2b2: {  	v1 =	vld [tilespmem:s21+$0xFFFFFF50]  }
0x2b3: {  	v2 =	vld [tilespmem:s21+$0xFFFFFF60]  }
0x2b4: {  	v3 =	vld [tilespmem:s21+$0xFFFFFF70]  }
0x2b5: {  	v4 =	vld [tilespmem:s21+$0xFFFFFF80]  }
0x2b6: {  	v5 =	vld [tilespmem:s21+$0xFFFFFF90]  }
0x2b7: {  	v6 =	vld [tilespmem:s21+$0xFFFFFFA0]  }
0x2b8: {  	v7 =	vld [tilespmem:s21+$0xFFFFFFB0]  }
0x2b9: {  	v8 =	vld [tilespmem:s21+$0xFFFFFFC0]  }
0x2ba: {  	v9 =	vld [tilespmem:s21+$0xFFFFFFD0]  }
0x2bb: {  	v10 =	vld [tilespmem:s21+$0xFFFFFFE0]  }
0x2bc: {  	v11 =	vld [tilespmem:s21+$0xFFFFFFF0]  }
0x2bd: {  	v12 =	vld [tilespmem:s21+$0x0]  }
0x2be: {  	v13 =	vld [tilespmem:s21+$0x10]  }
0x2bf: {  	v14 =	vld [tilespmem:s21+$0x20]  }
0x2c0: {  	v15 =	vld [tilespmem:s21+$0x30]  }
0x2c1: {  	v16 =	vld [tilespmem:s21+$0x40]  }
0x2c2: {  	v17 =	vld [tilespmem:s21+$0x50]  }
0x2c3: {  	v18 =	vld [tilespmem:s21+$0x60]  }
0x2c4: {  	v19 =	vld [tilespmem:s21+$0x70]  }
0x2c5: {  	v20 =	vld [tilespmem:s21+$0x80]  }
0x2c6: {  	v21 =	vld [tilespmem:s21+$0x90]  }
0x2c7: {  	v22 =	vld [tilespmem:s21+$0xA0]  }
0x2c8: {  	v23 =	vld [tilespmem:s21+$0xB0]  }
0x2c9: {  	v24 =	vld [tilespmem:s21+$0xFFFFFF40]  }
0x2ca: {  	v0 =	vld.idx.msk [tilespmem:v0+s7+$0x0], $0xffff  }
0x2cb: {  	v1 =	vld.idx.msk [tilespmem:v1+s7+$0x0], $0xffff  }
0x2cc: {  	v2 =	vld.idx.msk [tilespmem:v2+s7+$0x0], $0xffff  }
0x2cd: {  	v3 =	vld.idx.msk [tilespmem:v3+s7+$0x0], $0xffff  }
0x2ce: {  	v4 =	vld.idx.msk [tilespmem:v4+s7+$0x0], $0xffff  }
0x2cf: {  	s18 =	simm.s32 $0x1BAA8;
	v5 =	vld.idx.msk [tilespmem:v5+s7+$0x0], $0xffff  }
0x2d0: {  	[tilespmem:s18+$0xC0] =	vst v0;
	v0 =	vld.idx.msk [tilespmem:v6+s7+$0x0], $0xffff  }
0x2d1: {  	[tilespmem:s18+$0xFFFFFF50] =	vst v1;
	v1 =	vld.idx.msk [tilespmem:v7+s7+$0x0], $0xffff  }
0x2d2: {  	v6 =	vld.idx.msk [tilespmem:v24+s7+$0x0], $0xffff;
	[tilespmem:s18+$0xFFFFFF60] =	vst v2  }
0x2d3: {  	[tilespmem:s18+$0xFFFFFF70] =	vst v3;
	v2 =	vld.idx.msk [tilespmem:v8+s7+$0x0], $0xffff  }
0x2d4: {  	[tilespmem:s18+$0xFFFFFF80] =	vst v4;
	v3 =	vld.idx.msk [tilespmem:v9+s7+$0x0], $0xffff  }
0x2d5: {  	[tilespmem:s18+$0xFFFFFF90] =	vst v5;
	v4 =	vld.idx.msk [tilespmem:v10+s7+$0x0], $0xffff  }
0x2d6: {  	v5 =	vld.idx.msk [tilespmem:v13+s7+$0x0], $0xffff;
	[tilespmem:s18+$0xFFFFFFA0] =	vst v0  }
0x2d7: {  	v0 =	vld.idx.msk [tilespmem:v11+s7+$0x0], $0xffff;
	[tilespmem:s18+$0xFFFFFFB0] =	vst v1  }
0x2d8: {  	v1 =	vld.idx.msk [tilespmem:v12+s7+$0x0], $0xffff;
	[tilespmem:s18+$0xFFFFFF40] =	vst v6  }
0x2d9: {  	[tilespmem:s18+$0xFFFFFFC0] =	vst v2;
	v2 =	vld.idx.msk [tilespmem:v14+s7+$0x0], $0xffff  }
0x2da: {  	[tilespmem:s18+$0xFFFFFFD0] =	vst v3;
	v3 =	vld.idx.msk [tilespmem:v15+s7+$0x0], $0xffff  }
0x2db: {  	[tilespmem:s18+$0xFFFFFFE0] =	vst v4;
	v4 =	vld.idx.msk [tilespmem:v16+s7+$0x0], $0xffff  }
0x2dc: {  	v6 =	vld.idx.msk [tilespmem:v17+s7+$0x0], $0xffff;
	[tilespmem:s18+$0x10] =	vst v5  }
0x2dd: {  	v5 =	vld.idx.msk [tilespmem:v23+s7+$0x0], $0xffff;
	[tilespmem:s18+$0xFFFFFFF0] =	vst v0  }
0x2de: {  	[tilespmem:s18+$0x0] =	vst v1;
	v0 =	vld.idx.msk [tilespmem:v18+s7+$0x0], $0xffff  }
0x2df: {  	v1 =	vld.idx.msk [tilespmem:v19+s7+$0x0], $0xffff;
	[tilespmem:s18+$0x20] =	vst v2  }
0x2e0: {  	s22 =	smul.u32 $0x2710, s19;
	v2 =	vld.idx.msk [tilespmem:v20+s7+$0x0], $0xffff;
	[tilespmem:s18+$0x30] =	vst v3  }
0x2e1: {  	v3 =	vld.idx.msk [tilespmem:v21+s7+$0x0], $0xffff;
	[tilespmem:s18+$0x40] =	vst v4  }
0x2e2: {  	s20 =	simm.s32 $0x0;
	s17 =	sadd.s32 s8, s22;
	s6 =	simm.s32 $0x19528;
	v4 =	vld.idx.msk [tilespmem:v22+s7+$0x0], $0xffff;
	[tilespmem:s18+$0x50] =	vst v6  }
.LBB2_4:
0x2e3: {  	v6 =	vld [tilespmem:s6+$0xC0];
	s20 =	sadd.s32 $0x19, s20;
	[tilespmem:s18+$0x60] =	vst v0  }
0x2e4: {  	v0 =	vld [tilespmem:s6+$0xFFFFFF50];
	p3 =	slt.u32 s20, $0x64;
	[tilespmem:s18+$0x70] =	vst v1  }
0x2e5: {  	v1 =	vld [tilespmem:s6+$0xFFFFFF60];
	[tilespmem:s18+$0x80] =	vst v2  }
0x2e6: {  	v2 =	vld [tilespmem:s6+$0xFFFFFF70];
	[tilespmem:s18+$0x90] =	vst v3  }
0x2e7: {  	v3 =	vld [tilespmem:s6+$0xFFFFFF80];
	[tilespmem:s18+$0xA0] =	vst v4  }
0x2e8: {  	v4 =	vld [tilespmem:s6+$0xFFFFFF90];
	[tilespmem:s18+$0xB0] =	vst v5  }
0x2e9: {  	v5 =	vld [tilespmem:s6+$0xFFFFFFA0]  }
0x2ea: {  	v7 =	vld [tilespmem:s6+$0xFFFFFFB0]  }
0x2eb: {  	v6 =	vld.idx.msk [tilespmem:v6+s7+$0x0], $0xffff  }
0x2ec: {  	v8 =	vld [tilespmem:s6+$0xFFFFFFC0]  }
0x2ed: {  	v9 =	vld [tilespmem:s6+$0xFFFFFFD0]  }
0x2ee: {  	v10 =	vld [tilespmem:s6+$0xFFFFFFE0]  }
0x2ef: {  	v11 =	vld [tilespmem:s6+$0xFFFFFFF0]  }
0x2f0: {  	s18 =	sadd.s32 $0x190, s18;
	v12 =	vld [tilespmem:s6+$0x0]  }
0x2f1: {  	v13 =	vld [tilespmem:s6+$0x10];
	[tilespmem:s18+$0xC0] =	vst v6  }
0x2f2: {  	v6 =	vld [tilespmem:s6+$0x20]  }
0x2f3: {  	v14 =	vld [tilespmem:s6+$0x30]  }
0x2f4: {  	v15 =	vld [tilespmem:s6+$0x40]  }
0x2f5: {  	v16 =	vld [tilespmem:s6+$0x50]  }
0x2f6: {  	v17 =	vld [tilespmem:s6+$0x60]  }
0x2f7: {  	v18 =	vld [tilespmem:s6+$0x70]  }
0x2f8: {  	v19 =	vld [tilespmem:s6+$0x80]  }
0x2f9: {  	v20 =	vld [tilespmem:s6+$0x90]  }
0x2fa: {  	v21 =	vld [tilespmem:s6+$0xA0]  }
0x2fb: {  	v22 =	vld [tilespmem:s6+$0xB0]  }
0x2fc: {  	v23 =	vld [tilespmem:s6+$0xFFFFFF40]  }
0x2fd: {  	v0 =	vld.idx.msk [tilespmem:v0+s7+$0x0], $0xffff  }
0x2fe: {  	v1 =	vld.idx.msk [tilespmem:v1+s7+$0x0], $0xffff  }
0x2ff: {  	v2 =	vld.idx.msk [tilespmem:v2+s7+$0x0], $0xffff  }
0x300: {  	v3 =	vld.idx.msk [tilespmem:v3+s7+$0x0], $0xffff  }
0x301: {  	v4 =	vld.idx.msk [tilespmem:v4+s7+$0x0], $0xffff  }
0x302: {  	v5 =	vld.idx.msk [tilespmem:v5+s7+$0x0], $0xffff  }
0x303: {  	[tilespmem:s18+$0xFFFFFF50] =	vst v0;
	v0 =	vld.idx.msk [tilespmem:v7+s7+$0x0], $0xffff  }
0x304: {  	v7 =	vld.idx.msk [tilespmem:v23+s7+$0x0], $0xffff;
	[tilespmem:s18+$0xFFFFFF60] =	vst v1  }
0x305: {  	[tilespmem:s18+$0xFFFFFF70] =	vst v2;
	v1 =	vld.idx.msk [tilespmem:v8+s7+$0x0], $0xffff  }
0x306: {  	[tilespmem:s18+$0xFFFFFF80] =	vst v3;
	v2 =	vld.idx.msk [tilespmem:v9+s7+$0x0], $0xffff  }
0x307: {  	[tilespmem:s18+$0xFFFFFF90] =	vst v4;
	v3 =	vld.idx.msk [tilespmem:v10+s7+$0x0], $0xffff  }
0x308: {  	[tilespmem:s18+$0xFFFFFFA0] =	vst v5;
	v4 =	vld.idx.msk [tilespmem:v11+s7+$0x0], $0xffff  }
0x309: {  	[tilespmem:s18+$0xFFFFFFB0] =	vst v0;
	v0 =	vld.idx.msk [tilespmem:v12+s7+$0x0], $0xffff  }
0x30a: {  	[tilespmem:s18+$0xFFFFFF40] =	vst v7;
	v5 =	vld.idx.msk [tilespmem:v13+s7+$0x0], $0xffff  }
0x30b: {  	[tilespmem:s18+$0xFFFFFFC0] =	vst v1;
	v6 =	vld.idx.msk [tilespmem:v6+s7+$0x0], $0xffff  }
0x30c: {  	[tilespmem:s18+$0xFFFFFFD0] =	vst v2;
	v7 =	vld.idx.msk [tilespmem:v14+s7+$0x0], $0xffff  }
0x30d: {  	[tilespmem:s18+$0xFFFFFFE0] =	vst v3;
	v8 =	vld.idx.msk [tilespmem:v15+s7+$0x0], $0xffff  }
0x30e: {  	[tilespmem:s18+$0xFFFFFFF0] =	vst v4;
	v9 =	vld.idx.msk [tilespmem:v16+s7+$0x0], $0xffff  }
0x30f: {  	[tilespmem:s18+$0x0] =	vst v0;
	v0 =	vld.idx.msk [tilespmem:v17+s7+$0x0], $0xffff  }
.Ltmp10:
0x310: {  	[tilespmem:s18+$0x10] =	vst v5;
	v1 =	vld.idx.msk [tilespmem:v18+s7+$0x0], $0xffff;
	(pc) =	sbr.rel @p3 .LBB2_4-.Ltmp10, $4  }
0x311: {  	[tilespmem:s18+$0x20] =	vst v6;
	v2 =	vld.idx.msk [tilespmem:v19+s7+$0x0], $0xffff  }
0x312: {  	[tilespmem:s18+$0x30] =	vst v7;
	v3 =	vld.idx.msk [tilespmem:v20+s7+$0x0], $0xffff  }
0x313: {  	[tilespmem:s18+$0x40] =	vst v8;
	v4 =	vld.idx.msk [tilespmem:v21+s7+$0x0], $0xffff  }
0x314: {  	s6 =	sadd.s32 $0x190, s6;
	[tilespmem:s18+$0x50] =	vst v9;
	v5 =	vld.idx.msk [tilespmem:v22+s7+$0x0], $0xffff  }
0x315: {  	[tilespmem:s18+$0x60] =	vst v0  }
0x316: {  	[tilespmem:s18+$0x70] =	vst v1  }
0x317: {  	[tilespmem:s18+$0x80] =	vst v2  }
0x318: {  	[tilespmem:s18+$0x90] =	vst v3  }
0x319: {  	s6 =	sshrl.u32 s17, $0x3;
	[tilespmem:s18+$0xA0] =	vst v4  }
0x31a: {  	p3 =	seq.s32 s19, $0x9;
	s6 =	sadd.s32 s4, s6;
	[tilespmem:s18+$0xB0] =	vst v5  }
0x31b: {  	[hbm4b:s6+s7] =	stream.linear.scatter [tilespmem:s0], [sflag:$0x9], $0x7D0, $0x38;
	[tilespmem:$0x1E0F8] =	vst v63  }
0x31c: {  	s6 =	sshrl.u32 @!p3 s17, $0x3  }
0x31d: {  	s18 =	sadd.s32 @!p3 s2, s6  }
0x31e: {  	s20 =	simm.s32 @!p3 $0x0;
	s21 =	simm.s32 @!p3 $0x192D8;
	s6 =	sadd.s32 @!p3 $0x4E2, s18  }
0x31f: {  	[tilespmem:s21], [sflag:$0x4] =	stream.linear.gather @!p3 [hbm4b:s6+s20], $0x7D0, $0x38;
	[tilespmem:$0x1E0F8] =	vst v63  }
0x320: {  	_ =	swait.ge [sflag:s23], $0x7D0  }
0x321: {  	[sflag:s23] =	ssyncset.done $0x0  }
0x322: {  	s6 =	simm.s32 @!p2 $0xA;
	[sflag:s23] =	ssyncadd.s32 $0xFFFFF830  }
0x323: {  	_ =	swait.ge @!p2 [sflag:s6], $0x7D0  }
0x324: {  	[sflag:s6] =	ssyncset.done @!p2 $0x0  }
0x325: {  	s22 =	simm.s32 $0x19B68;
	[sflag:s6] =	ssyncadd.s32 @!p2 $0xFFFFF830  }
0x326: {  	v0 =	vld [tilespmem:s22+$0xC0]  }
0x327: {  	v1 =	vld [tilespmem:s22+$0xFFFFFF50]  }
0x328: {  	v2 =	vld [tilespmem:s22+$0xFFFFFF60]  }
0x329: {  	v3 =	vld [tilespmem:s22+$0xFFFFFF70]  }
0x32a: {  	v4 =	vld [tilespmem:s22+$0xFFFFFF80]  }
0x32b: {  	v5 =	vld [tilespmem:s22+$0xFFFFFF90]  }
0x32c: {  	v6 =	vld [tilespmem:s22+$0xFFFFFFA0]  }
0x32d: {  	v7 =	vld [tilespmem:s22+$0xFFFFFFB0]  }
0x32e: {  	v8 =	vld [tilespmem:s22+$0xFFFFFFC0]  }
0x32f: {  	v9 =	vld [tilespmem:s22+$0xFFFFFFD0]  }
0x330: {  	v10 =	vld [tilespmem:s22+$0xFFFFFFE0]  }
0x331: {  	v11 =	vld [tilespmem:s22+$0xFFFFFFF0]  }
0x332: {  	v12 =	vld [tilespmem:s22+$0x0]  }
0x333: {  	v13 =	vld [tilespmem:s22+$0x10]  }
0x334: {  	v14 =	vld [tilespmem:s22+$0x20]  }
0x335: {  	v15 =	vld [tilespmem:s22+$0x30]  }
0x336: {  	v16 =	vld [tilespmem:s22+$0x40]  }
0x337: {  	v17 =	vld [tilespmem:s22+$0x50]  }
0x338: {  	v18 =	vld [tilespmem:s22+$0x60]  }
0x339: {  	v19 =	vld [tilespmem:s22+$0x70]  }
0x33a: {  	v20 =	vld [tilespmem:s22+$0x80]  }
0x33b: {  	v21 =	vld [tilespmem:s22+$0x90]  }
0x33c: {  	v22 =	vld [tilespmem:s22+$0xA0]  }
0x33d: {  	v23 =	vld [tilespmem:s22+$0xB0]  }
0x33e: {  	v24 =	vld [tilespmem:s22+$0xFFFFFF40]  }
0x33f: {  	v0 =	vld.idx.msk [tilespmem:v0+s7+$0x0], $0xffff  }
0x340: {  	v1 =	vld.idx.msk [tilespmem:v1+s7+$0x0], $0xffff  }
0x341: {  	v2 =	vld.idx.msk [tilespmem:v2+s7+$0x0], $0xffff  }
0x342: {  	v3 =	vld.idx.msk [tilespmem:v3+s7+$0x0], $0xffff  }
0x343: {  	v4 =	vld.idx.msk [tilespmem:v4+s7+$0x0], $0xffff  }
0x344: {  	s20 =	simm.s32 $0x1C278;
	v5 =	vld.idx.msk [tilespmem:v5+s7+$0x0], $0xffff  }
0x345: {  	[tilespmem:s20+$0xC0] =	vst v0;
	v0 =	vld.idx.msk [tilespmem:v6+s7+$0x0], $0xffff  }
0x346: {  	[tilespmem:s20+$0xFFFFFF50] =	vst v1;
	v1 =	vld.idx.msk [tilespmem:v7+s7+$0x0], $0xffff  }
0x347: {  	v6 =	vld.idx.msk [tilespmem:v24+s7+$0x0], $0xffff;
	[tilespmem:s20+$0xFFFFFF60] =	vst v2  }
0x348: {  	[tilespmem:s20+$0xFFFFFF70] =	vst v3;
	v2 =	vld.idx.msk [tilespmem:v8+s7+$0x0], $0xffff  }
0x349: {  	[tilespmem:s20+$0xFFFFFF80] =	vst v4;
	v3 =	vld.idx.msk [tilespmem:v9+s7+$0x0], $0xffff  }
0x34a: {  	[tilespmem:s20+$0xFFFFFF90] =	vst v5;
	v4 =	vld.idx.msk [tilespmem:v10+s7+$0x0], $0xffff  }
0x34b: {  	v5 =	vld.idx.msk [tilespmem:v13+s7+$0x0], $0xffff;
	[tilespmem:s20+$0xFFFFFFA0] =	vst v0  }
0x34c: {  	v0 =	vld.idx.msk [tilespmem:v11+s7+$0x0], $0xffff;
	[tilespmem:s20+$0xFFFFFFB0] =	vst v1  }
0x34d: {  	v1 =	vld.idx.msk [tilespmem:v12+s7+$0x0], $0xffff;
	[tilespmem:s20+$0xFFFFFF40] =	vst v6  }
0x34e: {  	[tilespmem:s20+$0xFFFFFFC0] =	vst v2;
	v2 =	vld.idx.msk [tilespmem:v14+s7+$0x0], $0xffff  }
0x34f: {  	[tilespmem:s20+$0xFFFFFFD0] =	vst v3;
	v3 =	vld.idx.msk [tilespmem:v15+s7+$0x0], $0xffff  }
0x350: {  	[tilespmem:s20+$0xFFFFFFE0] =	vst v4;
	v4 =	vld.idx.msk [tilespmem:v16+s7+$0x0], $0xffff  }
0x351: {  	v6 =	vld.idx.msk [tilespmem:v17+s7+$0x0], $0xffff;
	[tilespmem:s20+$0x10] =	vst v5  }
0x352: {  	v5 =	vld.idx.msk [tilespmem:v23+s7+$0x0], $0xffff;
	[tilespmem:s20+$0xFFFFFFF0] =	vst v0  }
0x353: {  	[tilespmem:s20+$0x0] =	vst v1;
	v0 =	vld.idx.msk [tilespmem:v18+s7+$0x0], $0xffff  }
0x354: {  	v1 =	vld.idx.msk [tilespmem:v19+s7+$0x0], $0xffff;
	[tilespmem:s20+$0x20] =	vst v2  }
0x355: {  	v2 =	vld.idx.msk [tilespmem:v20+s7+$0x0], $0xffff;
	[tilespmem:s20+$0x30] =	vst v3  }
0x356: {  	s19 =	sadd.s32 $0x1, s19;
	v3 =	vld.idx.msk [tilespmem:v21+s7+$0x0], $0xffff;
	[tilespmem:s20+$0x40] =	vst v4  }
0x357: {  	s21 =	sadd.s32 $0x7D0, s17;
	s6 =	simm.s32 $0x0;
	s22 =	simm.s32 $0x19CF8;
	v4 =	vld.idx.msk [tilespmem:v22+s7+$0x0], $0xffff;
	[tilespmem:s20+$0x50] =	vst v6  }
.LBB2_6:
0x358: {  	v6 =	vld [tilespmem:s22+$0xC0];
	s6 =	sadd.s32 $0x19, s6;
	[tilespmem:s20+$0x60] =	vst v0  }
0x359: {  	v0 =	vld [tilespmem:s22+$0xFFFFFF50];
	p4 =	slt.u32 s6, $0x64;
	[tilespmem:s20+$0x70] =	vst v1  }
0x35a: {  	v1 =	vld [tilespmem:s22+$0xFFFFFF60];
	[tilespmem:s20+$0x80] =	vst v2  }
0x35b: {  	v2 =	vld [tilespmem:s22+$0xFFFFFF70];
	[tilespmem:s20+$0x90] =	vst v3  }
0x35c: {  	v3 =	vld [tilespmem:s22+$0xFFFFFF80];
	[tilespmem:s20+$0xA0] =	vst v4  }
0x35d: {  	v4 =	vld [tilespmem:s22+$0xFFFFFF90];
	[tilespmem:s20+$0xB0] =	vst v5  }
0x35e: {  	v5 =	vld [tilespmem:s22+$0xFFFFFFA0]  }
0x35f: {  	v7 =	vld [tilespmem:s22+$0xFFFFFFB0]  }
0x360: {  	v6 =	vld.idx.msk [tilespmem:v6+s7+$0x0], $0xffff  }
0x361: {  	v8 =	vld [tilespmem:s22+$0xFFFFFFC0]  }
0x362: {  	v9 =	vld [tilespmem:s22+$0xFFFFFFD0]  }
0x363: {  	v10 =	vld [tilespmem:s22+$0xFFFFFFE0]  }
0x364: {  	v11 =	vld [tilespmem:s22+$0xFFFFFFF0]  }
0x365: {  	s20 =	sadd.s32 $0x190, s20;
	v12 =	vld [tilespmem:s22+$0x0]  }
0x366: {  	v13 =	vld [tilespmem:s22+$0x10];
	[tilespmem:s20+$0xC0] =	vst v6  }
0x367: {  	v6 =	vld [tilespmem:s22+$0x20]  }
0x368: {  	v14 =	vld [tilespmem:s22+$0x30]  }
0x369: {  	v15 =	vld [tilespmem:s22+$0x40]  }
0x36a: {  	v16 =	vld [tilespmem:s22+$0x50]  }
0x36b: {  	v17 =	vld [tilespmem:s22+$0x60]  }
0x36c: {  	v18 =	vld [tilespmem:s22+$0x70]  }
0x36d: {  	v19 =	vld [tilespmem:s22+$0x80]  }
0x36e: {  	v20 =	vld [tilespmem:s22+$0x90]  }
0x36f: {  	v21 =	vld [tilespmem:s22+$0xA0]  }
0x370: {  	v22 =	vld [tilespmem:s22+$0xB0]  }
0x371: {  	v23 =	vld [tilespmem:s22+$0xFFFFFF40]  }
0x372: {  	v0 =	vld.idx.msk [tilespmem:v0+s7+$0x0], $0xffff  }
0x373: {  	v1 =	vld.idx.msk [tilespmem:v1+s7+$0x0], $0xffff  }
0x374: {  	v2 =	vld.idx.msk [tilespmem:v2+s7+$0x0], $0xffff  }
0x375: {  	v3 =	vld.idx.msk [tilespmem:v3+s7+$0x0], $0xffff  }
0x376: {  	v4 =	vld.idx.msk [tilespmem:v4+s7+$0x0], $0xffff  }
0x377: {  	v5 =	vld.idx.msk [tilespmem:v5+s7+$0x0], $0xffff  }
0x378: {  	[tilespmem:s20+$0xFFFFFF50] =	vst v0;
	v0 =	vld.idx.msk [tilespmem:v7+s7+$0x0], $0xffff  }
0x379: {  	v7 =	vld.idx.msk [tilespmem:v23+s7+$0x0], $0xffff;
	[tilespmem:s20+$0xFFFFFF60] =	vst v1  }
0x37a: {  	[tilespmem:s20+$0xFFFFFF70] =	vst v2;
	v1 =	vld.idx.msk [tilespmem:v8+s7+$0x0], $0xffff  }
0x37b: {  	[tilespmem:s20+$0xFFFFFF80] =	vst v3;
	v2 =	vld.idx.msk [tilespmem:v9+s7+$0x0], $0xffff  }
0x37c: {  	[tilespmem:s20+$0xFFFFFF90] =	vst v4;
	v3 =	vld.idx.msk [tilespmem:v10+s7+$0x0], $0xffff  }
0x37d: {  	[tilespmem:s20+$0xFFFFFFA0] =	vst v5;
	v4 =	vld.idx.msk [tilespmem:v11+s7+$0x0], $0xffff  }
0x37e: {  	[tilespmem:s20+$0xFFFFFFB0] =	vst v0;
	v0 =	vld.idx.msk [tilespmem:v12+s7+$0x0], $0xffff  }
0x37f: {  	[tilespmem:s20+$0xFFFFFF40] =	vst v7;
	v5 =	vld.idx.msk [tilespmem:v13+s7+$0x0], $0xffff  }
0x380: {  	[tilespmem:s20+$0xFFFFFFC0] =	vst v1;
	v6 =	vld.idx.msk [tilespmem:v6+s7+$0x0], $0xffff  }
0x381: {  	[tilespmem:s20+$0xFFFFFFD0] =	vst v2;
	v7 =	vld.idx.msk [tilespmem:v14+s7+$0x0], $0xffff  }
0x382: {  	[tilespmem:s20+$0xFFFFFFE0] =	vst v3;
	v8 =	vld.idx.msk [tilespmem:v15+s7+$0x0], $0xffff  }
0x383: {  	[tilespmem:s20+$0xFFFFFFF0] =	vst v4;
	v9 =	vld.idx.msk [tilespmem:v16+s7+$0x0], $0xffff  }
0x384: {  	[tilespmem:s20+$0x0] =	vst v0;
	v0 =	vld.idx.msk [tilespmem:v17+s7+$0x0], $0xffff  }
.Ltmp11:
0x385: {  	[tilespmem:s20+$0x10] =	vst v5;
	v1 =	vld.idx.msk [tilespmem:v18+s7+$0x0], $0xffff;
	(pc) =	sbr.rel @p4 .LBB2_6-.Ltmp11, $4  }
0x386: {  	[tilespmem:s20+$0x20] =	vst v6;
	v2 =	vld.idx.msk [tilespmem:v19+s7+$0x0], $0xffff  }
0x387: {  	[tilespmem:s20+$0x30] =	vst v7;
	v3 =	vld.idx.msk [tilespmem:v20+s7+$0x0], $0xffff  }
0x388: {  	[tilespmem:s20+$0x40] =	vst v8;
	v4 =	vld.idx.msk [tilespmem:v21+s7+$0x0], $0xffff  }
0x389: {  	s22 =	sadd.s32 $0x190, s22;
	[tilespmem:s20+$0x50] =	vst v9;
	v5 =	vld.idx.msk [tilespmem:v22+s7+$0x0], $0xffff  }
0x38a: {  	[tilespmem:s20+$0x60] =	vst v0  }
0x38b: {  	[tilespmem:s20+$0x70] =	vst v1  }
0x38c: {  	[tilespmem:s20+$0x80] =	vst v2  }
0x38d: {  	[tilespmem:s20+$0x90] =	vst v3  }
0x38e: {  	s6 =	sshrl.u32 s21, $0x3;
	[tilespmem:s20+$0xA0] =	vst v4  }
0x38f: {  	s6 =	sadd.s32 s4, s6;
	[tilespmem:s20+$0xB0] =	vst v5  }
0x390: {  	[hbm4b:s6+s7] =	stream.linear.scatter [tilespmem:s24], [sflag:$0xA], $0x7D0, $0x38;
	[tilespmem:$0x1E0F8] =	vst v63  }
0x391: {  	s21 =	simm.s32 @!p3 $0x19AA8;
	s20 =	simm.s32 @!p3 $0x0;
	s6 =	sadd.s32 @!p3 $0x5DC, s18  }
0x392: {  	[tilespmem:s21], [sflag:$0x5] =	stream.linear.gather @!p3 [hbm4b:s6+s20], $0x7D0, $0x38;
	[tilespmem:$0x1E0F8] =	vst v63  }
0x393: {  	_ =	swait.ge [sflag:s25], $0x7D0  }
0x394: {  	[sflag:s25] =	ssyncset.done $0x0  }
0x395: {  	s6 =	simm.s32 @!p2 $0xB;
	[sflag:s25] =	ssyncadd.s32 $0xFFFFF830  }
0x396: {  	_ =	swait.ge @!p2 [sflag:s6], $0x7D0  }
0x397: {  	[sflag:s6] =	ssyncset.done @!p2 $0x0  }
0x398: {  	s22 =	simm.s32 $0x1A338;
	[sflag:s6] =	ssyncadd.s32 @!p2 $0xFFFFF830  }
0x399: {  	v0 =	vld [tilespmem:s22+$0xC0]  }
0x39a: {  	v1 =	vld [tilespmem:s22+$0xFFFFFF50]  }
0x39b: {  	v2 =	vld [tilespmem:s22+$0xFFFFFF60]  }
0x39c: {  	v3 =	vld [tilespmem:s22+$0xFFFFFF70]  }
0x39d: {  	v4 =	vld [tilespmem:s22+$0xFFFFFF80]  }
0x39e: {  	v5 =	vld [tilespmem:s22+$0xFFFFFF90]  }
0x39f: {  	v6 =	vld [tilespmem:s22+$0xFFFFFFA0]  }
0x3a0: {  	v7 =	vld [tilespmem:s22+$0xFFFFFFB0]  }
0x3a1: {  	v8 =	vld [tilespmem:s22+$0xFFFFFFC0]  }
0x3a2: {  	v9 =	vld [tilespmem:s22+$0xFFFFFFD0]  }
0x3a3: {  	v10 =	vld [tilespmem:s22+$0xFFFFFFE0]  }
0x3a4: {  	v11 =	vld [tilespmem:s22+$0xFFFFFFF0]  }
0x3a5: {  	v12 =	vld [tilespmem:s22+$0x0]  }
0x3a6: {  	v13 =	vld [tilespmem:s22+$0x10]  }
0x3a7: {  	v14 =	vld [tilespmem:s22+$0x20]  }
0x3a8: {  	v15 =	vld [tilespmem:s22+$0x30]  }
0x3a9: {  	v16 =	vld [tilespmem:s22+$0x40]  }
0x3aa: {  	v17 =	vld [tilespmem:s22+$0x50]  }
0x3ab: {  	v18 =	vld [tilespmem:s22+$0x60]  }
0x3ac: {  	v19 =	vld [tilespmem:s22+$0x70]  }
0x3ad: {  	v20 =	vld [tilespmem:s22+$0x80]  }
0x3ae: {  	v21 =	vld [tilespmem:s22+$0x90]  }
0x3af: {  	v22 =	vld [tilespmem:s22+$0xA0]  }
0x3b0: {  	v23 =	vld [tilespmem:s22+$0xB0]  }
0x3b1: {  	v24 =	vld [tilespmem:s22+$0xFFFFFF40]  }
0x3b2: {  	v0 =	vld.idx.msk [tilespmem:v0+s7+$0x0], $0xffff  }
0x3b3: {  	v1 =	vld.idx.msk [tilespmem:v1+s7+$0x0], $0xffff  }
0x3b4: {  	v2 =	vld.idx.msk [tilespmem:v2+s7+$0x0], $0xffff  }
0x3b5: {  	v3 =	vld.idx.msk [tilespmem:v3+s7+$0x0], $0xffff  }
0x3b6: {  	v4 =	vld.idx.msk [tilespmem:v4+s7+$0x0], $0xffff  }
0x3b7: {  	s20 =	simm.s32 $0x1CA48;
	v5 =	vld.idx.msk [tilespmem:v5+s7+$0x0], $0xffff  }
0x3b8: {  	[tilespmem:s20+$0xC0] =	vst v0;
	v0 =	vld.idx.msk [tilespmem:v6+s7+$0x0], $0xffff  }
0x3b9: {  	[tilespmem:s20+$0xFFFFFF50] =	vst v1;
	v1 =	vld.idx.msk [tilespmem:v7+s7+$0x0], $0xffff  }
0x3ba: {  	v6 =	vld.idx.msk [tilespmem:v24+s7+$0x0], $0xffff;
	[tilespmem:s20+$0xFFFFFF60] =	vst v2  }
0x3bb: {  	[tilespmem:s20+$0xFFFFFF70] =	vst v3;
	v2 =	vld.idx.msk [tilespmem:v8+s7+$0x0], $0xffff  }
0x3bc: {  	[tilespmem:s20+$0xFFFFFF80] =	vst v4;
	v3 =	vld.idx.msk [tilespmem:v9+s7+$0x0], $0xffff  }
0x3bd: {  	[tilespmem:s20+$0xFFFFFF90] =	vst v5;
	v4 =	vld.idx.msk [tilespmem:v10+s7+$0x0], $0xffff  }
0x3be: {  	v5 =	vld.idx.msk [tilespmem:v13+s7+$0x0], $0xffff;
	[tilespmem:s20+$0xFFFFFFA0] =	vst v0  }
0x3bf: {  	v0 =	vld.idx.msk [tilespmem:v11+s7+$0x0], $0xffff;
	[tilespmem:s20+$0xFFFFFFB0] =	vst v1  }
0x3c0: {  	v1 =	vld.idx.msk [tilespmem:v12+s7+$0x0], $0xffff;
	[tilespmem:s20+$0xFFFFFF40] =	vst v6  }
0x3c1: {  	[tilespmem:s20+$0xFFFFFFC0] =	vst v2;
	v2 =	vld.idx.msk [tilespmem:v14+s7+$0x0], $0xffff  }
0x3c2: {  	[tilespmem:s20+$0xFFFFFFD0] =	vst v3;
	v3 =	vld.idx.msk [tilespmem:v15+s7+$0x0], $0xffff  }
0x3c3: {  	[tilespmem:s20+$0xFFFFFFE0] =	vst v4;
	v4 =	vld.idx.msk [tilespmem:v16+s7+$0x0], $0xffff  }
0x3c4: {  	v6 =	vld.idx.msk [tilespmem:v17+s7+$0x0], $0xffff;
	[tilespmem:s20+$0x10] =	vst v5  }
0x3c5: {  	v5 =	vld.idx.msk [tilespmem:v23+s7+$0x0], $0xffff;
	[tilespmem:s20+$0xFFFFFFF0] =	vst v0  }
0x3c6: {  	[tilespmem:s20+$0x0] =	vst v1;
	v0 =	vld.idx.msk [tilespmem:v18+s7+$0x0], $0xffff  }
0x3c7: {  	v1 =	vld.idx.msk [tilespmem:v19+s7+$0x0], $0xffff;
	[tilespmem:s20+$0x20] =	vst v2  }
0x3c8: {  	v2 =	vld.idx.msk [tilespmem:v20+s7+$0x0], $0xffff;
	[tilespmem:s20+$0x30] =	vst v3  }
0x3c9: {  	v3 =	vld.idx.msk [tilespmem:v21+s7+$0x0], $0xffff;
	[tilespmem:s20+$0x40] =	vst v4  }
0x3ca: {  	s21 =	sadd.s32 $0xFA0, s17;
	s6 =	simm.s32 $0x0;
	s22 =	simm.s32 $0x1A4C8;
	v4 =	vld.idx.msk [tilespmem:v22+s7+$0x0], $0xffff;
	[tilespmem:s20+$0x50] =	vst v6  }
.LBB2_8:
0x3cb: {  	v6 =	vld [tilespmem:s22+$0xC0];
	s6 =	sadd.s32 $0x19, s6;
	[tilespmem:s20+$0x60] =	vst v0  }
0x3cc: {  	v0 =	vld [tilespmem:s22+$0xFFFFFF50];
	p4 =	slt.u32 s6, $0x64;
	[tilespmem:s20+$0x70] =	vst v1  }
0x3cd: {  	v1 =	vld [tilespmem:s22+$0xFFFFFF60];
	[tilespmem:s20+$0x80] =	vst v2  }
0x3ce: {  	v2 =	vld [tilespmem:s22+$0xFFFFFF70];
	[tilespmem:s20+$0x90] =	vst v3  }
0x3cf: {  	v3 =	vld [tilespmem:s22+$0xFFFFFF80];
	[tilespmem:s20+$0xA0] =	vst v4  }
0x3d0: {  	v4 =	vld [tilespmem:s22+$0xFFFFFF90];
	[tilespmem:s20+$0xB0] =	vst v5  }
0x3d1: {  	v5 =	vld [tilespmem:s22+$0xFFFFFFA0]  }
0x3d2: {  	v7 =	vld [tilespmem:s22+$0xFFFFFFB0]  }
0x3d3: {  	v6 =	vld.idx.msk [tilespmem:v6+s7+$0x0], $0xffff  }
0x3d4: {  	v8 =	vld [tilespmem:s22+$0xFFFFFFC0]  }
0x3d5: {  	v9 =	vld [tilespmem:s22+$0xFFFFFFD0]  }
0x3d6: {  	v10 =	vld [tilespmem:s22+$0xFFFFFFE0]  }
0x3d7: {  	v11 =	vld [tilespmem:s22+$0xFFFFFFF0]  }
0x3d8: {  	s20 =	sadd.s32 $0x190, s20;
	v12 =	vld [tilespmem:s22+$0x0]  }
0x3d9: {  	v13 =	vld [tilespmem:s22+$0x10];
	[tilespmem:s20+$0xC0] =	vst v6  }
0x3da: {  	v6 =	vld [tilespmem:s22+$0x20]  }
0x3db: {  	v14 =	vld [tilespmem:s22+$0x30]  }
0x3dc: {  	v15 =	vld [tilespmem:s22+$0x40]  }
0x3dd: {  	v16 =	vld [tilespmem:s22+$0x50]  }
0x3de: {  	v17 =	vld [tilespmem:s22+$0x60]  }
0x3df: {  	v18 =	vld [tilespmem:s22+$0x70]  }
0x3e0: {  	v19 =	vld [tilespmem:s22+$0x80]  }
0x3e1: {  	v20 =	vld [tilespmem:s22+$0x90]  }
0x3e2: {  	v21 =	vld [tilespmem:s22+$0xA0]  }
0x3e3: {  	v22 =	vld [tilespmem:s22+$0xB0]  }
0x3e4: {  	v23 =	vld [tilespmem:s22+$0xFFFFFF40]  }
0x3e5: {  	v0 =	vld.idx.msk [tilespmem:v0+s7+$0x0], $0xffff  }
0x3e6: {  	v1 =	vld.idx.msk [tilespmem:v1+s7+$0x0], $0xffff  }
0x3e7: {  	v2 =	vld.idx.msk [tilespmem:v2+s7+$0x0], $0xffff  }
0x3e8: {  	v3 =	vld.idx.msk [tilespmem:v3+s7+$0x0], $0xffff  }
0x3e9: {  	v4 =	vld.idx.msk [tilespmem:v4+s7+$0x0], $0xffff  }
0x3ea: {  	v5 =	vld.idx.msk [tilespmem:v5+s7+$0x0], $0xffff  }
0x3eb: {  	[tilespmem:s20+$0xFFFFFF50] =	vst v0;
	v0 =	vld.idx.msk [tilespmem:v7+s7+$0x0], $0xffff  }
0x3ec: {  	v7 =	vld.idx.msk [tilespmem:v23+s7+$0x0], $0xffff;
	[tilespmem:s20+$0xFFFFFF60] =	vst v1  }
0x3ed: {  	[tilespmem:s20+$0xFFFFFF70] =	vst v2;
	v1 =	vld.idx.msk [tilespmem:v8+s7+$0x0], $0xffff  }
0x3ee: {  	[tilespmem:s20+$0xFFFFFF80] =	vst v3;
	v2 =	vld.idx.msk [tilespmem:v9+s7+$0x0], $0xffff  }
0x3ef: {  	[tilespmem:s20+$0xFFFFFF90] =	vst v4;
	v3 =	vld.idx.msk [tilespmem:v10+s7+$0x0], $0xffff  }
0x3f0: {  	[tilespmem:s20+$0xFFFFFFA0] =	vst v5;
	v4 =	vld.idx.msk [tilespmem:v11+s7+$0x0], $0xffff  }
0x3f1: {  	[tilespmem:s20+$0xFFFFFFB0] =	vst v0;
	v0 =	vld.idx.msk [tilespmem:v12+s7+$0x0], $0xffff  }
0x3f2: {  	[tilespmem:s20+$0xFFFFFF40] =	vst v7;
	v5 =	vld.idx.msk [tilespmem:v13+s7+$0x0], $0xffff  }
0x3f3: {  	[tilespmem:s20+$0xFFFFFFC0] =	vst v1;
	v6 =	vld.idx.msk [tilespmem:v6+s7+$0x0], $0xffff  }
0x3f4: {  	[tilespmem:s20+$0xFFFFFFD0] =	vst v2;
	v7 =	vld.idx.msk [tilespmem:v14+s7+$0x0], $0xffff  }
0x3f5: {  	[tilespmem:s20+$0xFFFFFFE0] =	vst v3;
	v8 =	vld.idx.msk [tilespmem:v15+s7+$0x0], $0xffff  }
0x3f6: {  	[tilespmem:s20+$0xFFFFFFF0] =	vst v4;
	v9 =	vld.idx.msk [tilespmem:v16+s7+$0x0], $0xffff  }
0x3f7: {  	[tilespmem:s20+$0x0] =	vst v0;
	v0 =	vld.idx.msk [tilespmem:v17+s7+$0x0], $0xffff  }
.Ltmp12:
0x3f8: {  	[tilespmem:s20+$0x10] =	vst v5;
	v1 =	vld.idx.msk [tilespmem:v18+s7+$0x0], $0xffff;
	(pc) =	sbr.rel @p4 .LBB2_8-.Ltmp12, $4  }
0x3f9: {  	[tilespmem:s20+$0x20] =	vst v6;
	v2 =	vld.idx.msk [tilespmem:v19+s7+$0x0], $0xffff  }
0x3fa: {  	[tilespmem:s20+$0x30] =	vst v7;
	v3 =	vld.idx.msk [tilespmem:v20+s7+$0x0], $0xffff  }
0x3fb: {  	[tilespmem:s20+$0x40] =	vst v8;
	v4 =	vld.idx.msk [tilespmem:v21+s7+$0x0], $0xffff  }
0x3fc: {  	s22 =	sadd.s32 $0x190, s22;
	[tilespmem:s20+$0x50] =	vst v9;
	v5 =	vld.idx.msk [tilespmem:v22+s7+$0x0], $0xffff  }
0x3fd: {  	[tilespmem:s20+$0x60] =	vst v0  }
0x3fe: {  	[tilespmem:s20+$0x70] =	vst v1  }
0x3ff: {  	[tilespmem:s20+$0x80] =	vst v2  }
0x400: {  	[tilespmem:s20+$0x90] =	vst v3  }
0x401: {  	s6 =	sshrl.u32 s21, $0x3;
	[tilespmem:s20+$0xA0] =	vst v4  }
0x402: {  	s6 =	sadd.s32 s4, s6;
	[tilespmem:s20+$0xB0] =	vst v5  }
0x403: {  	[hbm4b:s6+s7] =	stream.linear.scatter [tilespmem:s26], [sflag:$0xB], $0x7D0, $0x38;
	[tilespmem:$0x1E0F8] =	vst v63  }
0x404: {  	s21 =	simm.s32 @!p3 $0x1A278;
	s20 =	simm.s32 @!p3 $0x0;
	s6 =	sadd.s32 @!p3 $0x6D6, s18  }
0x405: {  	[tilespmem:s21], [sflag:$0x6] =	stream.linear.gather @!p3 [hbm4b:s6+s20], $0x7D0, $0x38;
	[tilespmem:$0x1E0F8] =	vst v63  }
0x406: {  	_ =	swait.ge [sflag:s28], $0x7D0  }
0x407: {  	[sflag:s28] =	ssyncset.done $0x0  }
0x408: {  	s6 =	simm.s32 @!p2 $0xC;
	[sflag:s28] =	ssyncadd.s32 $0xFFFFF830  }
0x409: {  	_ =	swait.ge @!p2 [sflag:s6], $0x7D0  }
0x40a: {  	[sflag:s6] =	ssyncset.done @!p2 $0x0  }
0x40b: {  	s22 =	simm.s32 $0x1AB08;
	[sflag:s6] =	ssyncadd.s32 @!p2 $0xFFFFF830  }
0x40c: {  	v0 =	vld [tilespmem:s22+$0xC0]  }
0x40d: {  	v1 =	vld [tilespmem:s22+$0xFFFFFF50]  }
0x40e: {  	v2 =	vld [tilespmem:s22+$0xFFFFFF60]  }
0x40f: {  	v3 =	vld [tilespmem:s22+$0xFFFFFF70]  }
0x410: {  	v4 =	vld [tilespmem:s22+$0xFFFFFF80]  }
0x411: {  	v5 =	vld [tilespmem:s22+$0xFFFFFF90]  }
0x412: {  	v6 =	vld [tilespmem:s22+$0xFFFFFFA0]  }
0x413: {  	v7 =	vld [tilespmem:s22+$0xFFFFFFB0]  }
0x414: {  	v8 =	vld [tilespmem:s22+$0xFFFFFFC0]  }
0x415: {  	v9 =	vld [tilespmem:s22+$0xFFFFFFD0]  }
0x416: {  	v10 =	vld [tilespmem:s22+$0xFFFFFFE0]  }
0x417: {  	v11 =	vld [tilespmem:s22+$0xFFFFFFF0]  }
0x418: {  	v12 =	vld [tilespmem:s22+$0x0]  }
0x419: {  	v13 =	vld [tilespmem:s22+$0x10]  }
0x41a: {  	v14 =	vld [tilespmem:s22+$0x20]  }
0x41b: {  	v15 =	vld [tilespmem:s22+$0x30]  }
0x41c: {  	v16 =	vld [tilespmem:s22+$0x40]  }
0x41d: {  	v17 =	vld [tilespmem:s22+$0x50]  }
0x41e: {  	v18 =	vld [tilespmem:s22+$0x60]  }
0x41f: {  	v19 =	vld [tilespmem:s22+$0x70]  }
0x420: {  	v20 =	vld [tilespmem:s22+$0x80]  }
0x421: {  	v21 =	vld [tilespmem:s22+$0x90]  }
0x422: {  	v22 =	vld [tilespmem:s22+$0xA0]  }
0x423: {  	v23 =	vld [tilespmem:s22+$0xB0]  }
0x424: {  	v24 =	vld [tilespmem:s22+$0xFFFFFF40]  }
0x425: {  	v0 =	vld.idx.msk [tilespmem:v0+s7+$0x0], $0xffff  }
0x426: {  	v1 =	vld.idx.msk [tilespmem:v1+s7+$0x0], $0xffff  }
0x427: {  	v2 =	vld.idx.msk [tilespmem:v2+s7+$0x0], $0xffff  }
0x428: {  	v3 =	vld.idx.msk [tilespmem:v3+s7+$0x0], $0xffff  }
0x429: {  	v4 =	vld.idx.msk [tilespmem:v4+s7+$0x0], $0xffff  }
0x42a: {  	s20 =	simm.s32 $0x1D218;
	v5 =	vld.idx.msk [tilespmem:v5+s7+$0x0], $0xffff  }
0x42b: {  	[tilespmem:s20+$0xC0] =	vst v0;
	v0 =	vld.idx.msk [tilespmem:v6+s7+$0x0], $0xffff  }
0x42c: {  	[tilespmem:s20+$0xFFFFFF50] =	vst v1;
	v1 =	vld.idx.msk [tilespmem:v7+s7+$0x0], $0xffff  }
0x42d: {  	v6 =	vld.idx.msk [tilespmem:v24+s7+$0x0], $0xffff;
	[tilespmem:s20+$0xFFFFFF60] =	vst v2  }
0x42e: {  	[tilespmem:s20+$0xFFFFFF70] =	vst v3;
	v2 =	vld.idx.msk [tilespmem:v8+s7+$0x0], $0xffff  }
0x42f: {  	[tilespmem:s20+$0xFFFFFF80] =	vst v4;
	v3 =	vld.idx.msk [tilespmem:v9+s7+$0x0], $0xffff  }
0x430: {  	[tilespmem:s20+$0xFFFFFF90] =	vst v5;
	v4 =	vld.idx.msk [tilespmem:v10+s7+$0x0], $0xffff  }
0x431: {  	v5 =	vld.idx.msk [tilespmem:v13+s7+$0x0], $0xffff;
	[tilespmem:s20+$0xFFFFFFA0] =	vst v0  }
0x432: {  	v0 =	vld.idx.msk [tilespmem:v11+s7+$0x0], $0xffff;
	[tilespmem:s20+$0xFFFFFFB0] =	vst v1  }
0x433: {  	v1 =	vld.idx.msk [tilespmem:v12+s7+$0x0], $0xffff;
	[tilespmem:s20+$0xFFFFFF40] =	vst v6  }
0x434: {  	[tilespmem:s20+$0xFFFFFFC0] =	vst v2;
	v2 =	vld.idx.msk [tilespmem:v14+s7+$0x0], $0xffff  }
0x435: {  	[tilespmem:s20+$0xFFFFFFD0] =	vst v3;
	v3 =	vld.idx.msk [tilespmem:v15+s7+$0x0], $0xffff  }
0x436: {  	[tilespmem:s20+$0xFFFFFFE0] =	vst v4;
	v4 =	vld.idx.msk [tilespmem:v16+s7+$0x0], $0xffff  }
0x437: {  	v6 =	vld.idx.msk [tilespmem:v17+s7+$0x0], $0xffff;
	[tilespmem:s20+$0x10] =	vst v5  }
0x438: {  	v5 =	vld.idx.msk [tilespmem:v23+s7+$0x0], $0xffff;
	[tilespmem:s20+$0xFFFFFFF0] =	vst v0  }
0x439: {  	[tilespmem:s20+$0x0] =	vst v1;
	v0 =	vld.idx.msk [tilespmem:v18+s7+$0x0], $0xffff  }
0x43a: {  	v1 =	vld.idx.msk [tilespmem:v19+s7+$0x0], $0xffff;
	[tilespmem:s20+$0x20] =	vst v2  }
0x43b: {  	v2 =	vld.idx.msk [tilespmem:v20+s7+$0x0], $0xffff;
	[tilespmem:s20+$0x30] =	vst v3  }
0x43c: {  	v3 =	vld.idx.msk [tilespmem:v21+s7+$0x0], $0xffff;
	[tilespmem:s20+$0x40] =	vst v4  }
0x43d: {  	s21 =	sadd.s32 $0x1770, s17;
	s6 =	simm.s32 $0x0;
	s22 =	simm.s32 $0x1AC98;
	v4 =	vld.idx.msk [tilespmem:v22+s7+$0x0], $0xffff;
	[tilespmem:s20+$0x50] =	vst v6  }
.LBB2_10:
0x43e: {  	v6 =	vld [tilespmem:s22+$0xC0];
	s6 =	sadd.s32 $0x19, s6;
	[tilespmem:s20+$0x60] =	vst v0  }
0x43f: {  	v0 =	vld [tilespmem:s22+$0xFFFFFF50];
	p4 =	slt.u32 s6, $0x64;
	[tilespmem:s20+$0x70] =	vst v1  }
0x440: {  	v1 =	vld [tilespmem:s22+$0xFFFFFF60];
	[tilespmem:s20+$0x80] =	vst v2  }
0x441: {  	v2 =	vld [tilespmem:s22+$0xFFFFFF70];
	[tilespmem:s20+$0x90] =	vst v3  }
0x442: {  	v3 =	vld [tilespmem:s22+$0xFFFFFF80];
	[tilespmem:s20+$0xA0] =	vst v4  }
0x443: {  	v4 =	vld [tilespmem:s22+$0xFFFFFF90];
	[tilespmem:s20+$0xB0] =	vst v5  }
0x444: {  	v5 =	vld [tilespmem:s22+$0xFFFFFFA0]  }
0x445: {  	v7 =	vld [tilespmem:s22+$0xFFFFFFB0]  }
0x446: {  	v6 =	vld.idx.msk [tilespmem:v6+s7+$0x0], $0xffff  }
0x447: {  	v8 =	vld [tilespmem:s22+$0xFFFFFFC0]  }
0x448: {  	v9 =	vld [tilespmem:s22+$0xFFFFFFD0]  }
0x449: {  	v10 =	vld [tilespmem:s22+$0xFFFFFFE0]  }
0x44a: {  	v11 =	vld [tilespmem:s22+$0xFFFFFFF0]  }
0x44b: {  	s20 =	sadd.s32 $0x190, s20;
	v12 =	vld [tilespmem:s22+$0x0]  }
0x44c: {  	v13 =	vld [tilespmem:s22+$0x10];
	[tilespmem:s20+$0xC0] =	vst v6  }
0x44d: {  	v6 =	vld [tilespmem:s22+$0x20]  }
0x44e: {  	v14 =	vld [tilespmem:s22+$0x30]  }
0x44f: {  	v15 =	vld [tilespmem:s22+$0x40]  }
0x450: {  	v16 =	vld [tilespmem:s22+$0x50]  }
0x451: {  	v17 =	vld [tilespmem:s22+$0x60]  }
0x452: {  	v18 =	vld [tilespmem:s22+$0x70]  }
0x453: {  	v19 =	vld [tilespmem:s22+$0x80]  }
0x454: {  	v20 =	vld [tilespmem:s22+$0x90]  }
0x455: {  	v21 =	vld [tilespmem:s22+$0xA0]  }
0x456: {  	v22 =	vld [tilespmem:s22+$0xB0]  }
0x457: {  	v23 =	vld [tilespmem:s22+$0xFFFFFF40]  }
0x458: {  	v0 =	vld.idx.msk [tilespmem:v0+s7+$0x0], $0xffff  }
0x459: {  	v1 =	vld.idx.msk [tilespmem:v1+s7+$0x0], $0xffff  }
0x45a: {  	v2 =	vld.idx.msk [tilespmem:v2+s7+$0x0], $0xffff  }
0x45b: {  	v3 =	vld.idx.msk [tilespmem:v3+s7+$0x0], $0xffff  }
0x45c: {  	v4 =	vld.idx.msk [tilespmem:v4+s7+$0x0], $0xffff  }
0x45d: {  	v5 =	vld.idx.msk [tilespmem:v5+s7+$0x0], $0xffff  }
0x45e: {  	[tilespmem:s20+$0xFFFFFF50] =	vst v0;
	v0 =	vld.idx.msk [tilespmem:v7+s7+$0x0], $0xffff  }
0x45f: {  	v7 =	vld.idx.msk [tilespmem:v23+s7+$0x0], $0xffff;
	[tilespmem:s20+$0xFFFFFF60] =	vst v1  }
0x460: {  	[tilespmem:s20+$0xFFFFFF70] =	vst v2;
	v1 =	vld.idx.msk [tilespmem:v8+s7+$0x0], $0xffff  }
0x461: {  	[tilespmem:s20+$0xFFFFFF80] =	vst v3;
	v2 =	vld.idx.msk [tilespmem:v9+s7+$0x0], $0xffff  }
0x462: {  	[tilespmem:s20+$0xFFFFFF90] =	vst v4;
	v3 =	vld.idx.msk [tilespmem:v10+s7+$0x0], $0xffff  }
0x463: {  	[tilespmem:s20+$0xFFFFFFA0] =	vst v5;
	v4 =	vld.idx.msk [tilespmem:v11+s7+$0x0], $0xffff  }
0x464: {  	[tilespmem:s20+$0xFFFFFFB0] =	vst v0;
	v0 =	vld.idx.msk [tilespmem:v12+s7+$0x0], $0xffff  }
0x465: {  	[tilespmem:s20+$0xFFFFFF40] =	vst v7;
	v5 =	vld.idx.msk [tilespmem:v13+s7+$0x0], $0xffff  }
0x466: {  	[tilespmem:s20+$0xFFFFFFC0] =	vst v1;
	v6 =	vld.idx.msk [tilespmem:v6+s7+$0x0], $0xffff  }
0x467: {  	[tilespmem:s20+$0xFFFFFFD0] =	vst v2;
	v7 =	vld.idx.msk [tilespmem:v14+s7+$0x0], $0xffff  }
0x468: {  	[tilespmem:s20+$0xFFFFFFE0] =	vst v3;
	v8 =	vld.idx.msk [tilespmem:v15+s7+$0x0], $0xffff  }
0x469: {  	[tilespmem:s20+$0xFFFFFFF0] =	vst v4;
	v9 =	vld.idx.msk [tilespmem:v16+s7+$0x0], $0xffff  }
0x46a: {  	[tilespmem:s20+$0x0] =	vst v0;
	v0 =	vld.idx.msk [tilespmem:v17+s7+$0x0], $0xffff  }
.Ltmp13:
0x46b: {  	[tilespmem:s20+$0x10] =	vst v5;
	v1 =	vld.idx.msk [tilespmem:v18+s7+$0x0], $0xffff;
	(pc) =	sbr.rel @p4 .LBB2_10-.Ltmp13, $4  }
0x46c: {  	[tilespmem:s20+$0x20] =	vst v6;
	v2 =	vld.idx.msk [tilespmem:v19+s7+$0x0], $0xffff  }
0x46d: {  	[tilespmem:s20+$0x30] =	vst v7;
	v3 =	vld.idx.msk [tilespmem:v20+s7+$0x0], $0xffff  }
0x46e: {  	[tilespmem:s20+$0x40] =	vst v8;
	v4 =	vld.idx.msk [tilespmem:v21+s7+$0x0], $0xffff  }
0x46f: {  	s22 =	sadd.s32 $0x190, s22;
	[tilespmem:s20+$0x50] =	vst v9;
	v5 =	vld.idx.msk [tilespmem:v22+s7+$0x0], $0xffff  }
0x470: {  	[tilespmem:s20+$0x60] =	vst v0  }
0x471: {  	[tilespmem:s20+$0x70] =	vst v1  }
0x472: {  	[tilespmem:s20+$0x80] =	vst v2  }
0x473: {  	[tilespmem:s20+$0x90] =	vst v3  }
0x474: {  	s6 =	sshrl.u32 s21, $0x3;
	[tilespmem:s20+$0xA0] =	vst v4  }
0x475: {  	s6 =	sadd.s32 s4, s6;
	[tilespmem:s20+$0xB0] =	vst v5  }
0x476: {  	[hbm4b:s6+s7] =	stream.linear.scatter [tilespmem:s29], [sflag:$0xC], $0x7D0, $0x38;
	[tilespmem:$0x1E0F8] =	vst v63  }
0x477: {  	s21 =	simm.s32 @!p3 $0x1AA48;
	s20 =	simm.s32 @!p3 $0x0;
	s6 =	sadd.s32 @!p3 $0x7D0, s18  }
0x478: {  	[tilespmem:s21], [sflag:$0x7] =	stream.linear.gather @!p3 [hbm4b:s6+s20], $0x7D0, $0x38;
	[tilespmem:$0x1E0F8] =	vst v63  }
0x479: {  	_ =	swait.ge [sflag:s9], $0x7D0  }
0x47a: {  	[sflag:s9] =	ssyncset.done $0x0  }
0x47b: {  	s6 =	simm.s32 @!p2 $0xD;
	[sflag:s9] =	ssyncadd.s32 $0xFFFFF830  }
0x47c: {  	_ =	swait.ge @!p2 [sflag:s6], $0x7D0  }
0x47d: {  	[sflag:s6] =	ssyncset.done @!p2 $0x0  }
0x47e: {  	s22 =	simm.s32 $0x1B2D8;
	[sflag:s6] =	ssyncadd.s32 @!p2 $0xFFFFF830  }
0x47f: {  	v0 =	vld [tilespmem:s22+$0xC0]  }
0x480: {  	v1 =	vld [tilespmem:s22+$0xFFFFFF50]  }
0x481: {  	v2 =	vld [tilespmem:s22+$0xFFFFFF60]  }
0x482: {  	v3 =	vld [tilespmem:s22+$0xFFFFFF70]  }
0x483: {  	v4 =	vld [tilespmem:s22+$0xFFFFFF80]  }
0x484: {  	v5 =	vld [tilespmem:s22+$0xFFFFFF90]  }
0x485: {  	v6 =	vld [tilespmem:s22+$0xFFFFFFA0]  }
0x486: {  	v7 =	vld [tilespmem:s22+$0xFFFFFFB0]  }
0x487: {  	v8 =	vld [tilespmem:s22+$0xFFFFFFC0]  }
0x488: {  	v9 =	vld [tilespmem:s22+$0xFFFFFFD0]  }
0x489: {  	v10 =	vld [tilespmem:s22+$0xFFFFFFE0]  }
0x48a: {  	v11 =	vld [tilespmem:s22+$0xFFFFFFF0]  }
0x48b: {  	v12 =	vld [tilespmem:s22+$0x0]  }
0x48c: {  	v13 =	vld [tilespmem:s22+$0x10]  }
0x48d: {  	v14 =	vld [tilespmem:s22+$0x20]  }
0x48e: {  	v15 =	vld [tilespmem:s22+$0x30]  }
0x48f: {  	v16 =	vld [tilespmem:s22+$0x40]  }
0x490: {  	v17 =	vld [tilespmem:s22+$0x50]  }
0x491: {  	v18 =	vld [tilespmem:s22+$0x60]  }
0x492: {  	v19 =	vld [tilespmem:s22+$0x70]  }
0x493: {  	v20 =	vld [tilespmem:s22+$0x80]  }
0x494: {  	v21 =	vld [tilespmem:s22+$0x90]  }
0x495: {  	v22 =	vld [tilespmem:s22+$0xA0]  }
0x496: {  	v23 =	vld [tilespmem:s22+$0xB0]  }
0x497: {  	v24 =	vld [tilespmem:s22+$0xFFFFFF40]  }
0x498: {  	v0 =	vld.idx.msk [tilespmem:v0+s7+$0x0], $0xffff  }
0x499: {  	v1 =	vld.idx.msk [tilespmem:v1+s7+$0x0], $0xffff  }
0x49a: {  	v2 =	vld.idx.msk [tilespmem:v2+s7+$0x0], $0xffff  }
0x49b: {  	v3 =	vld.idx.msk [tilespmem:v3+s7+$0x0], $0xffff  }
0x49c: {  	v4 =	vld.idx.msk [tilespmem:v4+s7+$0x0], $0xffff  }
0x49d: {  	s20 =	simm.s32 $0x1D9E8;
	v5 =	vld.idx.msk [tilespmem:v5+s7+$0x0], $0xffff  }
0x49e: {  	[tilespmem:s20+$0xC0] =	vst v0;
	v0 =	vld.idx.msk [tilespmem:v6+s7+$0x0], $0xffff  }
0x49f: {  	[tilespmem:s20+$0xFFFFFF50] =	vst v1;
	v1 =	vld.idx.msk [tilespmem:v7+s7+$0x0], $0xffff  }
0x4a0: {  	v6 =	vld.idx.msk [tilespmem:v24+s7+$0x0], $0xffff;
	[tilespmem:s20+$0xFFFFFF60] =	vst v2  }
0x4a1: {  	[tilespmem:s20+$0xFFFFFF70] =	vst v3;
	v2 =	vld.idx.msk [tilespmem:v8+s7+$0x0], $0xffff  }
0x4a2: {  	[tilespmem:s20+$0xFFFFFF80] =	vst v4;
	v3 =	vld.idx.msk [tilespmem:v9+s7+$0x0], $0xffff  }
0x4a3: {  	[tilespmem:s20+$0xFFFFFF90] =	vst v5;
	v4 =	vld.idx.msk [tilespmem:v10+s7+$0x0], $0xffff  }
0x4a4: {  	v5 =	vld.idx.msk [tilespmem:v13+s7+$0x0], $0xffff;
	[tilespmem:s20+$0xFFFFFFA0] =	vst v0  }
0x4a5: {  	v0 =	vld.idx.msk [tilespmem:v11+s7+$0x0], $0xffff;
	[tilespmem:s20+$0xFFFFFFB0] =	vst v1  }
0x4a6: {  	v1 =	vld.idx.msk [tilespmem:v12+s7+$0x0], $0xffff;
	[tilespmem:s20+$0xFFFFFF40] =	vst v6  }
0x4a7: {  	[tilespmem:s20+$0xFFFFFFC0] =	vst v2;
	v2 =	vld.idx.msk [tilespmem:v14+s7+$0x0], $0xffff  }
0x4a8: {  	[tilespmem:s20+$0xFFFFFFD0] =	vst v3;
	v3 =	vld.idx.msk [tilespmem:v15+s7+$0x0], $0xffff  }
0x4a9: {  	[tilespmem:s20+$0xFFFFFFE0] =	vst v4;
	v4 =	vld.idx.msk [tilespmem:v16+s7+$0x0], $0xffff  }
0x4aa: {  	v6 =	vld.idx.msk [tilespmem:v17+s7+$0x0], $0xffff;
	[tilespmem:s20+$0x10] =	vst v5  }
0x4ab: {  	v5 =	vld.idx.msk [tilespmem:v23+s7+$0x0], $0xffff;
	[tilespmem:s20+$0xFFFFFFF0] =	vst v0  }
0x4ac: {  	[tilespmem:s20+$0x0] =	vst v1;
	v0 =	vld.idx.msk [tilespmem:v18+s7+$0x0], $0xffff  }
0x4ad: {  	v1 =	vld.idx.msk [tilespmem:v19+s7+$0x0], $0xffff;
	[tilespmem:s20+$0x20] =	vst v2  }
0x4ae: {  	v2 =	vld.idx.msk [tilespmem:v20+s7+$0x0], $0xffff;
	[tilespmem:s20+$0x30] =	vst v3  }
0x4af: {  	v3 =	vld.idx.msk [tilespmem:v21+s7+$0x0], $0xffff;
	[tilespmem:s20+$0x40] =	vst v4  }
0x4b0: {  	s17 =	sadd.s32 $0x1F40, s17;
	s21 =	simm.s32 $0x1B468;
	s6 =	simm.s32 $0x0;
	v4 =	vld.idx.msk [tilespmem:v22+s7+$0x0], $0xffff;
	[tilespmem:s20+$0x50] =	vst v6  }
.LBB2_12:
0x4b1: {  	v6 =	vld [tilespmem:s21+$0xC0];
	s6 =	sadd.s32 $0x19, s6;
	[tilespmem:s20+$0x60] =	vst v0  }
0x4b2: {  	v0 =	vld [tilespmem:s21+$0xFFFFFF50];
	p2 =	slt.u32 s6, $0x64;
	[tilespmem:s20+$0x70] =	vst v1  }
0x4b3: {  	v1 =	vld [tilespmem:s21+$0xFFFFFF60];
	[tilespmem:s20+$0x80] =	vst v2  }
0x4b4: {  	v2 =	vld [tilespmem:s21+$0xFFFFFF70];
	[tilespmem:s20+$0x90] =	vst v3  }
0x4b5: {  	v3 =	vld [tilespmem:s21+$0xFFFFFF80];
	[tilespmem:s20+$0xA0] =	vst v4  }
0x4b6: {  	v4 =	vld [tilespmem:s21+$0xFFFFFF90];
	[tilespmem:s20+$0xB0] =	vst v5  }
0x4b7: {  	v5 =	vld [tilespmem:s21+$0xFFFFFFA0]  }
0x4b8: {  	v7 =	vld [tilespmem:s21+$0xFFFFFFB0]  }
0x4b9: {  	v6 =	vld.idx.msk [tilespmem:v6+s7+$0x0], $0xffff  }
0x4ba: {  	v8 =	vld [tilespmem:s21+$0xFFFFFFC0]  }
0x4bb: {  	v9 =	vld [tilespmem:s21+$0xFFFFFFD0]  }
0x4bc: {  	v10 =	vld [tilespmem:s21+$0xFFFFFFE0]  }
0x4bd: {  	v11 =	vld [tilespmem:s21+$0xFFFFFFF0]  }
0x4be: {  	s20 =	sadd.s32 $0x190, s20;
	v12 =	vld [tilespmem:s21+$0x0]  }
0x4bf: {  	v13 =	vld [tilespmem:s21+$0x10];
	[tilespmem:s20+$0xC0] =	vst v6  }
0x4c0: {  	v6 =	vld [tilespmem:s21+$0x20]  }
0x4c1: {  	v14 =	vld [tilespmem:s21+$0x30]  }
0x4c2: {  	v15 =	vld [tilespmem:s21+$0x40]  }
0x4c3: {  	v16 =	vld [tilespmem:s21+$0x50]  }
0x4c4: {  	v17 =	vld [tilespmem:s21+$0x60]  }
0x4c5: {  	v18 =	vld [tilespmem:s21+$0x70]  }
0x4c6: {  	v19 =	vld [tilespmem:s21+$0x80]  }
0x4c7: {  	v20 =	vld [tilespmem:s21+$0x90]  }
0x4c8: {  	v21 =	vld [tilespmem:s21+$0xA0]  }
0x4c9: {  	v22 =	vld [tilespmem:s21+$0xB0]  }
0x4ca: {  	v23 =	vld [tilespmem:s21+$0xFFFFFF40]  }
0x4cb: {  	v0 =	vld.idx.msk [tilespmem:v0+s7+$0x0], $0xffff  }
0x4cc: {  	v1 =	vld.idx.msk [tilespmem:v1+s7+$0x0], $0xffff  }
0x4cd: {  	v2 =	vld.idx.msk [tilespmem:v2+s7+$0x0], $0xffff  }
0x4ce: {  	v3 =	vld.idx.msk [tilespmem:v3+s7+$0x0], $0xffff  }
0x4cf: {  	v4 =	vld.idx.msk [tilespmem:v4+s7+$0x0], $0xffff  }
0x4d0: {  	v5 =	vld.idx.msk [tilespmem:v5+s7+$0x0], $0xffff  }
0x4d1: {  	[tilespmem:s20+$0xFFFFFF50] =	vst v0;
	v0 =	vld.idx.msk [tilespmem:v7+s7+$0x0], $0xffff  }
0x4d2: {  	v7 =	vld.idx.msk [tilespmem:v23+s7+$0x0], $0xffff;
	[tilespmem:s20+$0xFFFFFF60] =	vst v1  }
0x4d3: {  	[tilespmem:s20+$0xFFFFFF70] =	vst v2;
	v1 =	vld.idx.msk [tilespmem:v8+s7+$0x0], $0xffff  }
0x4d4: {  	[tilespmem:s20+$0xFFFFFF80] =	vst v3;
	v2 =	vld.idx.msk [tilespmem:v9+s7+$0x0], $0xffff  }
0x4d5: {  	[tilespmem:s20+$0xFFFFFF90] =	vst v4;
	v3 =	vld.idx.msk [tilespmem:v10+s7+$0x0], $0xffff  }
0x4d6: {  	[tilespmem:s20+$0xFFFFFFA0] =	vst v5;
	v4 =	vld.idx.msk [tilespmem:v11+s7+$0x0], $0xffff  }
0x4d7: {  	[tilespmem:s20+$0xFFFFFFB0] =	vst v0;
	v0 =	vld.idx.msk [tilespmem:v12+s7+$0x0], $0xffff  }
0x4d8: {  	[tilespmem:s20+$0xFFFFFF40] =	vst v7;
	v5 =	vld.idx.msk [tilespmem:v13+s7+$0x0], $0xffff  }
0x4d9: {  	[tilespmem:s20+$0xFFFFFFC0] =	vst v1;
	v6 =	vld.idx.msk [tilespmem:v6+s7+$0x0], $0xffff  }
0x4da: {  	[tilespmem:s20+$0xFFFFFFD0] =	vst v2;
	v7 =	vld.idx.msk [tilespmem:v14+s7+$0x0], $0xffff  }
0x4db: {  	[tilespmem:s20+$0xFFFFFFE0] =	vst v3;
	v8 =	vld.idx.msk [tilespmem:v15+s7+$0x0], $0xffff  }
0x4dc: {  	[tilespmem:s20+$0xFFFFFFF0] =	vst v4;
	v9 =	vld.idx.msk [tilespmem:v16+s7+$0x0], $0xffff  }
0x4dd: {  	[tilespmem:s20+$0x0] =	vst v0;
	v0 =	vld.idx.msk [tilespmem:v17+s7+$0x0], $0xffff  }
.Ltmp14:
0x4de: {  	[tilespmem:s20+$0x10] =	vst v5;
	v1 =	vld.idx.msk [tilespmem:v18+s7+$0x0], $0xffff;
	(pc) =	sbr.rel @p2 .LBB2_12-.Ltmp14, $4  }
0x4df: {  	[tilespmem:s20+$0x20] =	vst v6;
	v2 =	vld.idx.msk [tilespmem:v19+s7+$0x0], $0xffff  }
0x4e0: {  	[tilespmem:s20+$0x30] =	vst v7;
	v3 =	vld.idx.msk [tilespmem:v20+s7+$0x0], $0xffff  }
0x4e1: {  	[tilespmem:s20+$0x40] =	vst v8;
	v4 =	vld.idx.msk [tilespmem:v21+s7+$0x0], $0xffff  }
0x4e2: {  	s21 =	sadd.s32 $0x190, s21;
	[tilespmem:s20+$0x50] =	vst v9;
	v5 =	vld.idx.msk [tilespmem:v22+s7+$0x0], $0xffff  }
0x4e3: {  	[tilespmem:s20+$0x60] =	vst v0  }
0x4e4: {  	[tilespmem:s20+$0x70] =	vst v1  }
0x4e5: {  	p2 =	seq.s32 @!p3 s19, $0xA;
	[tilespmem:s20+$0x80] =	vst v2  }
0x4e6: {  	p2 =	por p3, p2;
	[tilespmem:s20+$0x90] =	vst v3  }
.Ltmp15:
0x4e7: {  	s6 =	sshrl.u32 s17, $0x3;
	[tilespmem:s20+$0xA0] =	vst v4;
	(pc) =	sbr.rel @!p2 .LBB2_3-.Ltmp15, $4  }
.Ltmp16:
0x4e8: {  	s6 =	sadd.s32 s4, s6;
	[tilespmem:s20+$0xB0] =	vst v5;
	(pc) =	sbr.rel @p2 .LBB2_26-.Ltmp16, $4  }
0x4e9: {  	[hbm4b:s6+s7] =	stream.linear.scatter [tilespmem:s10], [sflag:$0xD], $0x7D0, $0x38;
	[tilespmem:$0x1E0F8] =	vst v63  }
0x4ea: {  	s17 =	simm.s32 @!p3 $0x0;
	s6 =	sadd.s32 @!p3 $0x8CA, s18;
	s18 =	simm.s32 @!p3 $0x1B218  }
0x4eb: {  	[tilespmem:s18], [sflag:$0x8] =	stream.linear.gather @!p3 [hbm4b:s6+s17], $0x7D0, $0x38;
	[tilespmem:$0x1E0F8] =	vst v63  }
0x4ec: {  	_ = 	snop  }
.LBB2_27:
0x4ed: {  	_ =	sfence.sel $0x180000  }
0x4ee: {  	[bflag:$0x0] =	sbarrier.arrive $0xFFFF  }
0x4ef: {  	_ =	strace $0x90000047  }
0x4f0: {  	[bflag:$0x2] =	sbarrier.arrive $0xFFFF  }
0x4f1: {  	s0 =	rddreg [dreg:$0x6]  }
0x4f2: {  	s0 =	sadd.s32 @!p1 $0x100000, s0  }
0x4f3: {  	[sflag:s0] =	ssyncadd.tile.s32 @!p1 $0x1;
	_ =	shalt  }
.Lfunc_end2:
_tile_overlayer_lowered:
.L_overlay_start_2:
0x4f4: {  	(tag) =	ssettag $0x2  }
0x4f5: {  	s0 =	rddreg [dreg:$0x0];
	s2 =	stileid.u32  }
0x4f6: {  	s1 =	rddreg [dreg:$0x1];
	p0 =	sne.s32 s2, $0x0  }
0x4f7: {  	s3 =	rddreg [dreg:$0x2];
	[bflag:$0x3] =	sbarrier.arrive $0xFFFF;
	s2 =	simm.s32 @!p0 $0x1C0E  }
0x4f8: {  	[timem:s3], [sflag:s2] =	dma.local @!p0 [hbm:s0], s1  }
0x4f9: {  	s0 =	simm.s32 @!p0 $0xE  }
0x4fa: {  	_ =	swait.ge @!p0 [sflag:s0], s1  }
0x4fb: {  	s1 =	ssub.s32 @!p0 $0x0, s1;
	[sflag:s0] =	ssyncset.done @!p0 $0x0  }
0x4fc: {  	[sflag:s0] =	ssyncadd.s32 @!p0 s1  }
0x4fd: {  	[bflag:$0x3] =	sbarrier.arrive $0xFFFF  }
0x4fe: {  	_ =	shalt  }

</sc_bundles>
